<compile_context>
chip_gen: v7x
topology: tpu7x:2x2x1
jax: 0.10.2.dev20260603
libtpu: 0.0.44.dev20260713+nightly
codegen_flags: <defaults>
</compile_context>

<pallas_src>
import functools
import math

import jax
import jax.numpy as jnp
from jax import lax
from jax.experimental import pallas as pl
from jax.experimental.pallas import tpu as pltpu
from jax.experimental.pallas import tpu_sc as plsc

_VOCAB = 1000000
_D = 64
_S = 200
_B = 4096

_NC = 2
_NS = 16
_NW = _NC * _NS
_BPW = _B // _NW
_QROWS = 32
_LANES = 16
_DSLICES = _D // _LANES
_G0 = 128
_G1 = _S - _G0
_OROWS = _S // 2


def _emb_body(x_hbm, emb_hbm, pos_hbm, out_hbm,
              blk_v, pos_v, in_v, out_v, gsem0, gsem1, ssem0, ssem1, bsem):
    wid = lax.axis_index("s") * _NC + lax.axis_index("c")
    b0 = wid * _BPW

    pltpu.sync_copy(x_hbm.at[pl.ds(b0, _QROWS)], blk_v.at[0])
    pltpu.sync_copy(pos_hbm, pos_v)
    pltpu.async_copy(x_hbm.at[pl.ds(b0 + _QROWS, _QROWS)], blk_v.at[1], bsem)

    gsems = (gsem0, gsem1)
    ssems = (ssem0, ssem1)

    def fire_gathers(r, ph):
        qph = (r // _QROWS) & 1
        rq = r % _QROWS
        pltpu.async_copy(emb_hbm.at[blk_v.at[qph, rq, pl.ds(0, _G0)]],
                         in_v.at[ph, pl.ds(0, _G0)], gsems[ph])
        pltpu.async_copy(emb_hbm.at[blk_v.at[qph, rq, pl.ds(_G0, _G1)]],
                         in_v.at[ph, pl.ds(_G0, _G1)], gsems[ph])

    def wait_gathers(ph):
        pltpu.make_async_copy(emb_hbm.at[blk_v.at[0, 0, pl.ds(0, _G0)]],
                              in_v.at[ph, pl.ds(0, _G0)], gsems[ph]).wait()
        pltpu.make_async_copy(emb_hbm.at[blk_v.at[0, 0, pl.ds(_G0, _G1)]],
                              in_v.at[ph, pl.ds(_G0, _G1)], gsems[ph]).wait()

    def row_pass(r, ph):
        wait_gathers(ph)

        @pl.when(r >= 2)
        def _():
            pltpu.make_async_copy(out_v.at[ph],
                                  out_hbm.at[pl.ds(b0 * _OROWS, _OROWS)],
                                  ssems[ph]).wait()

        def seq_step(t, carry):
            for u in range(2):
                jj = 2 * t + u
                for d in range(_DSLICES):
                    v = in_v[ph, jj, pl.ds(d * _LANES, _LANES)] * 8.0 \
                        + pos_v[jj, pl.ds(d * _LANES, _LANES)]
                    out_v[ph, t, pl.ds(u * _D + d * _LANES, _LANES)] = v
            return carry

        lax.fori_loop(0, _OROWS, seq_step, 0)
        pltpu.async_copy(out_v.at[ph],
                         out_hbm.at[pl.ds((b0 + r) * _OROWS, _OROWS)], ssems[ph])

        @pl.when(jnp.logical_and((r + 1) % _QROWS == 0,
                                 r + 1 + _QROWS < _BPW))
        def _():
            qn = (r + 1) // _QROWS + 1
            pltpu.async_copy(x_hbm.at[pl.ds(b0 + qn * _QROWS, _QROWS)],
                             blk_v.at[qn & 1], bsem)

        @pl.when(jnp.logical_and((r + 2) % _QROWS == 0, r + 2 < _BPW))
        def _():
            pltpu.make_async_copy(x_hbm.at[pl.ds(b0, _QROWS)],
                                  blk_v.at[0], bsem).wait()

        @pl.when(r + 2 < _BPW)
        def _():
            fire_gathers(r + 2, ph)

    fire_gathers(0, 0)
    fire_gathers(1, 1)

    def loop_body(i, carry):
        row_pass(2 * i, 0)
        row_pass(2 * i + 1, 1)
        return carry

    lax.fori_loop(0, _BPW // 2, loop_body, 0)
    pltpu.make_async_copy(out_v.at[0], out_hbm.at[pl.ds(0, _OROWS)], ssem0).wait()
    pltpu.make_async_copy(out_v.at[1], out_hbm.at[pl.ds(0, _OROWS)], ssem1).wait()


def kernel(x, emb_table, pos_table):
    emb_lin = emb_table.reshape(_VOCAB // 2, 2 * _D).reshape(_VOCAB, _D)

    mesh = plsc.VectorSubcoreMesh(core_axis_name="c", subcore_axis_name="s")
    run = functools.partial(
        pl.kernel,
        mesh=mesh,
        compiler_params=pltpu.CompilerParams(use_tc_tiling_on_sc=False,
                                             needs_layout_passes=True),
        out_type=jax.ShapeDtypeStruct((_B * _S // 2, 2 * _D), jnp.float32),
        scratch_types=[
            pltpu.VMEM((2, _QROWS, _S), jnp.int32),
            pltpu.VMEM((_S, _D), jnp.float32),
            pltpu.VMEM((2, _S, _D), jnp.float32),
            pltpu.VMEM((2, _OROWS, 2 * _D), jnp.float32),
            pltpu.SemaphoreType.DMA,
            pltpu.SemaphoreType.DMA,
            pltpu.SemaphoreType.DMA,
            pltpu.SemaphoreType.DMA,
            pltpu.SemaphoreType.DMA,
        ],
    )(_emb_body)
    out2 = run(x, emb_lin, pos_table)
    return out2.reshape(_B, _S, _D)

# --- scband reference (transcript-rebuilt; emitter-appended) ---
"""Pipeline reference for scband-cust-embeddings-1262720385387 (READ-ONLY COPY).

The authoritative reference and input builder live on the scoring server;
editing this copy changes nothing except your own understanding.
"""

import jax, jax.numpy as jnp
import numpy as np
import math

VOCAB = 1000000
EMB_DIM = 64
SEQ_LEN = 200  # SEQUENCE_LENGTH + 2
BATCH = 4096
EMB_INIT_SCALE = 0.02


def setup_inputs(seed: int = 0) -> dict:
    key = jax.random.key(seed)
    k1, k2, k3 = jax.random.split(key, 3)
    x = jax.random.randint(k1, (BATCH, SEQ_LEN), 0, VOCAB, dtype=jnp.int32)
    # token embedding table: trunc_normal(std=emb_init_scale) ~ normal clipped to 2 std
    emb_table = jnp.clip(jax.random.normal(k2, (VOCAB, EMB_DIM), dtype=jnp.float32), -2.0, 2.0) * EMB_INIT_SCALE
    # positional embedding table: nn.Embedding default init N(0, 1)
    pos_table = jax.random.normal(k3, (SEQ_LEN, EMB_DIM), dtype=jnp.float32)
    return {"x": x, "emb_table": emb_table, "pos_table": pos_table}


def reference(x, emb_table, pos_table):
    # pos_embed = pos_embeddings(arange(sequence_length)) -> [SEQ_LEN, EMB_DIM]
    pos_embed = jnp.take(pos_table, jnp.arange(SEQ_LEN), axis=0)
    # embed = embeddings_layer(x) * sqrt(embedding_dim) -> [B, SEQ_LEN, EMB_DIM]
    embed = jnp.take(emb_table, x, axis=0) * math.sqrt(EMB_DIM)
    return pos_embed + embed

if __name__ == "__main__":
    import jax
    _d = setup_inputs()
    print(jax.jit(kernel)(*tuple(_d.values())))

</pallas_src>

<mosaic_0001>
#map = affine_map<(d0, d1) -> (0, 0)>
module attributes {stable_mosaic.version = 14 : i64} {
  func.func @_emb_body(%arg0: i32, %arg1: i32, %arg2: memref<4096x200xi32, #tpu.memory_space<hbm>>, %arg3: memref<1000000x64xf32, #tpu.memory_space<hbm>>, %arg4: memref<200x64xf32, #tpu.memory_space<hbm>>, %arg5: memref<409600x128xf32, #tpu.memory_space<hbm>>, %arg6: memref<2x32x200xi32, #tpu.memory_space<vmem>>, %arg7: memref<200x64xf32, #tpu.memory_space<vmem>>, %arg8: memref<2x200x64xf32, #tpu.memory_space<vmem>>, %arg9: memref<2x100x128xf32, #tpu.memory_space<vmem>>, %arg10: memref<!tpu.dma_semaphore, #tpu.memory_space<semaphore_mem>>, %arg11: memref<!tpu.dma_semaphore, #tpu.memory_space<semaphore_mem>>, %arg12: memref<!tpu.dma_semaphore, #tpu.memory_space<semaphore_mem>>, %arg13: memref<!tpu.dma_semaphore, #tpu.memory_space<semaphore_mem>>, %arg14: memref<!tpu.dma_semaphore, #tpu.memory_space<semaphore_mem>>) attributes {dimension_semantics = [#tpu.dimension_semantics<core_parallel>, #tpu.dimension_semantics<subcore_parallel>], iteration_bounds = array<i64: 2, 16>, scalar_prefetch = 0 : i64, scratch_operands = 9 : i64, tpu.core_type = #tpu.core_type<sc_vector_subcore>, window_params = [{transform_indices = #map}, {transform_indices = #map}, {transform_indices = #map}, {transform_indices = #map}]} {
    %mul3A = arith.constant 2 : i32
    %mul3A_0 = arith.muli %arg1, %mul3A : i32
    %add3A = arith.addi %mul3A_0, %arg0 : i32
    %mul3A_1 = arith.constant 128 : i32
    %mul3A_2 = arith.muli %add3A, %mul3A_1 : i32
    %run_scoped3A = arith.constant 0 : i32
    "tpu.region"() ({
      %run_scoped3A_103 = tpu.sem_alloc : memref<!tpu.dma_semaphore, #tpu.memory_space<semaphore_mem>>
      %dma_start3A_104 = arith.constant 0 : i32
      %dma_start3A_105 = arith.constant 0 : i32
      %dma_start3A_106 = tpu.memref_slice %arg6[%run_scoped3A, %dma_start3A_104, %dma_start3A_105] : memref<2x32x200xi32, #tpu.memory_space<vmem>> -> memref<1x32x200xi32, #tpu.memory_space<vmem>>
      %dma_start3A_107 = tpu.memref_squeeze %dma_start3A_106 : memref<1x32x200xi32, #tpu.memory_space<vmem>> -> memref<32x200xi32, #tpu.memory_space<vmem>>
      %dma_start3A_108 = arith.constant 0 : i32
      %dma_start3A_109 = tpu.memref_slice %arg2[%mul3A_2, %dma_start3A_108] : memref<4096x200xi32, #tpu.memory_space<hbm>> -> memref<32x200xi32, #tpu.memory_space<hbm>>
      %dma_start3A_110 = arith.constant 0 : i32
      %dma_start3A_111 = arith.constant 0 : i32
      %dma_start3A_112 = tpu.memref_slice %arg6[%run_scoped3A, %dma_start3A_110, %dma_start3A_111] : memref<2x32x200xi32, #tpu.memory_space<vmem>> -> memref<1x32x200xi32, #tpu.memory_space<vmem>>
      %dma_start3A_113 = tpu.memref_squeeze %dma_start3A_112 : memref<1x32x200xi32, #tpu.memory_space<vmem>> -> memref<32x200xi32, #tpu.memory_space<vmem>>
      %dma_start3A_114 = arith.constant 0 : i32
      %dma_start3A_115 = tpu.memref_slice %arg2[%mul3A_2, %dma_start3A_114] : memref<4096x200xi32, #tpu.memory_space<hbm>> -> memref<32x200xi32, #tpu.memory_space<hbm>>
      tpu.enqueue_dma source(%dma_start3A_115 : memref<32x200xi32, #tpu.memory_space<hbm>>) target(%dma_start3A_113 : memref<32x200xi32, #tpu.memory_space<vmem>>) target_semaphore(%run_scoped3A_103 : memref<!tpu.dma_semaphore, #tpu.memory_space<semaphore_mem>>)
      %dma_wait3A_116 = arith.constant 0 : i32
      %dma_wait3A_117 = arith.constant 0 : i32
      %dma_wait3A_118 = tpu.memref_slice %arg6[%run_scoped3A, %dma_wait3A_116, %dma_wait3A_117] : memref<2x32x200xi32, #tpu.memory_space<vmem>> -> memref<1x32x200xi32, #tpu.memory_space<vmem>>
      %dma_wait3A_119 = tpu.memref_squeeze %dma_wait3A_118 : memref<1x32x200xi32, #tpu.memory_space<vmem>> -> memref<32x200xi32, #tpu.memory_space<vmem>>
      %dma_wait3A_120 = arith.constant 0 : i32
      %dma_wait3A_121 = tpu.memref_slice %arg2[%mul3A_2, %dma_wait3A_120] : memref<4096x200xi32, #tpu.memory_space<hbm>> -> memref<32x200xi32, #tpu.memory_space<hbm>>
      %dma_wait3A_122 = arith.constant 0 : i32
      %dma_wait3A_123 = arith.constant 0 : i32
      %dma_wait3A_124 = tpu.memref_slice %arg6[%run_scoped3A, %dma_wait3A_122, %dma_wait3A_123] : memref<2x32x200xi32, #tpu.memory_space<vmem>> -> memref<1x32x200xi32, #tpu.memory_space<vmem>>
      %dma_wait3A_125 = tpu.memref_squeeze %dma_wait3A_124 : memref<1x32x200xi32, #tpu.memory_space<vmem>> -> memref<32x200xi32, #tpu.memory_space<vmem>>
      %dma_wait3A_126 = arith.constant 0 : i32
      %dma_wait3A_127 = tpu.memref_slice %arg2[%mul3A_2, %dma_wait3A_126] : memref<4096x200xi32, #tpu.memory_space<hbm>> -> memref<32x200xi32, #tpu.memory_space<hbm>>
      tpu.wait_dma2 semaphore(%run_scoped3A_103 : memref<!tpu.dma_semaphore, #tpu.memory_space<semaphore_mem>>) src(%dma_wait3A_127 : memref<32x200xi32, #tpu.memory_space<hbm>>) dst(%dma_wait3A_125 : memref<32x200xi32, #tpu.memory_space<vmem>>)
      tpu.yield
    }) : () -> ()
    "tpu.region"() ({
      %run_scoped3A_103 = tpu.sem_alloc : memref<!tpu.dma_semaphore, #tpu.memory_space<semaphore_mem>>
      tpu.enqueue_dma source(%arg4 : memref<200x64xf32, #tpu.memory_space<hbm>>) target(%arg7 : memref<200x64xf32, #tpu.memory_space<vmem>>) target_semaphore(%run_scoped3A_103 : memref<!tpu.dma_semaphore, #tpu.memory_space<semaphore_mem>>)
      tpu.wait_dma2 semaphore(%run_scoped3A_103 : memref<!tpu.dma_semaphore, #tpu.memory_space<semaphore_mem>>) src(%arg4 : memref<200x64xf32, #tpu.memory_space<hbm>>) dst(%arg7 : memref<200x64xf32, #tpu.memory_space<vmem>>)
      tpu.yield
    }) : () -> ()
    %add3A_3 = arith.constant 32 : i32
    %add3A_4 = arith.addi %mul3A_2, %add3A_3 : i32
    %dma_start3A = arith.constant 1 : i32
    %dma_start3A_5 = arith.constant 0 : i32
    %dma_start3A_6 = arith.constant 0 : i32
    %dma_start3A_7 = tpu.memref_slice %arg6[%dma_start3A, %dma_start3A_5, %dma_start3A_6] : memref<2x32x200xi32, #tpu.memory_space<vmem>> -> memref<1x32x200xi32, #tpu.memory_space<vmem>>
    %dma_start3A_8 = tpu.memref_squeeze %dma_start3A_7 : memref<1x32x200xi32, #tpu.memory_space<vmem>> -> memref<32x200xi32, #tpu.memory_space<vmem>>
    %dma_start3A_9 = arith.constant 0 : i32
    %dma_start3A_10 = tpu.memref_slice %arg2[%add3A_4, %dma_start3A_9] : memref<4096x200xi32, #tpu.memory_space<hbm>> -> memref<32x200xi32, #tpu.memory_space<hbm>>
    %dma_start3A_11 = arith.constant 0 : i32
    %dma_start3A_12 = arith.constant 0 : i32
    %dma_start3A_13 = tpu.memref_slice %arg6[%dma_start3A, %dma_start3A_11, %dma_start3A_12] : memref<2x32x200xi32, #tpu.memory_space<vmem>> -> memref<1x32x200xi32, #tpu.memory_space<vmem>>
    %dma_start3A_14 = tpu.memref_squeeze %dma_start3A_13 : memref<1x32x200xi32, #tpu.memory_space<vmem>> -> memref<32x200xi32, #tpu.memory_space<vmem>>
    %dma_start3A_15 = arith.constant 0 : i32
    %dma_start3A_16 = tpu.memref_slice %arg2[%add3A_4, %dma_start3A_15] : memref<4096x200xi32, #tpu.memory_space<hbm>> -> memref<32x200xi32, #tpu.memory_space<hbm>>
    tpu.enqueue_dma source(%dma_start3A_16 : memref<32x200xi32, #tpu.memory_space<hbm>>) target(%dma_start3A_14 : memref<32x200xi32, #tpu.memory_space<vmem>>) target_semaphore(%arg14 : memref<!tpu.dma_semaphore, #tpu.memory_space<semaphore_mem>>)
    %dma_start3A_17 = arith.constant 0 : i32
    %dma_start3A_18 = arith.constant 0 : i32
    %dma_start3A_19 = arith.constant 0 : i32
    %dma_start3A_20 = arith.constant 0 : i32
    %dma_start3A_21 = arith.constant 0 : i32
    %dma_start3A_22 = tpu.memref_slice %arg8[%dma_start3A_19, %dma_start3A_20, %dma_start3A_21] : memref<2x200x64xf32, #tpu.memory_space<vmem>> -> memref<1x128x64xf32, #tpu.memory_space<vmem>>
    %dma_start3A_23 = tpu.memref_squeeze %dma_start3A_22 : memref<1x128x64xf32, #tpu.memory_space<vmem>> -> memref<128x64xf32, #tpu.memory_space<vmem>>
    %dma_start3A_24 = arith.constant 0 : i32
    %dma_start3A_25 = tpu.memref_slice %arg6[%dma_start3A_17, %dma_start3A_18, %dma_start3A_24] : memref<2x32x200xi32, #tpu.memory_space<vmem>> -> memref<1x1x128xi32, #tpu.memory_space<vmem>>
    %dma_start3A_26 = tpu.memref_squeeze %dma_start3A_25 : memref<1x1x128xi32, #tpu.memory_space<vmem>> -> memref<128xi32, #tpu.memory_space<vmem>>
    %dma_start3A_27 = arith.constant 0 : i32
    %dma_start3A_28 = arith.constant 0 : i32
    %dma_start3A_29 = tpu.memref_slice %arg3[%dma_start3A_27, %dma_start3A_28] : memref<1000000x64xf32, #tpu.memory_space<hbm>> -> memref<1000000x64xf32, #tpu.memory_space<hbm>>
    tpu.enqueue_indirect_dma source(%dma_start3A_29 : memref<1000000x64xf32, #tpu.memory_space<hbm>>) target(%dma_start3A_23 : memref<128x64xf32, #tpu.memory_space<vmem>>) offsets(%dma_start3A_26 : memref<128xi32, #tpu.memory_space<vmem>>) semaphore(%arg10 : memref<!tpu.dma_semaphore, #tpu.memory_space<semaphore_mem>>)
    %dma_start3A_30 = arith.constant 0 : i32
    %dma_start3A_31 = arith.constant 0 : i32
    %dma_start3A_32 = arith.constant 0 : i32
    %dma_start3A_33 = arith.constant 128 : i32
    %dma_start3A_34 = arith.constant 0 : i32
    %dma_start3A_35 = tpu.memref_slice %arg8[%dma_start3A_32, %dma_start3A_33, %dma_start3A_34] : memref<2x200x64xf32, #tpu.memory_space<vmem>> -> memref<1x72x64xf32, #tpu.memory_space<vmem>>
    %dma_start3A_36 = tpu.memref_squeeze %dma_start3A_35 : memref<1x72x64xf32, #tpu.memory_space<vmem>> -> memref<72x64xf32, #tpu.memory_space<vmem>>
    %dma_start3A_37 = arith.constant 128 : i32
    %dma_start3A_38 = tpu.memref_slice %arg6[%dma_start3A_30, %dma_start3A_31, %dma_start3A_37] : memref<2x32x200xi32, #tpu.memory_space<vmem>> -> memref<1x1x72xi32, #tpu.memory_space<vmem>>
    %dma_start3A_39 = tpu.memref_squeeze %dma_start3A_38 : memref<1x1x72xi32, #tpu.memory_space<vmem>> -> memref<72xi32, #tpu.memory_space<vmem>>
    %dma_start3A_40 = arith.constant 0 : i32
    %dma_start3A_41 = arith.constant 0 : i32
    %dma_start3A_42 = tpu.memref_slice %arg3[%dma_start3A_40, %dma_start3A_41] : memref<1000000x64xf32, #tpu.memory_space<hbm>> -> memref<1000000x64xf32, #tpu.memory_space<hbm>>
    tpu.enqueue_indirect_dma source(%dma_start3A_42 : memref<1000000x64xf32, #tpu.memory_space<hbm>>) target(%dma_start3A_36 : memref<72x64xf32, #tpu.memory_space<vmem>>) offsets(%dma_start3A_39 : memref<72xi32, #tpu.memory_space<vmem>>) semaphore(%arg10 : memref<!tpu.dma_semaphore, #tpu.memory_space<semaphore_mem>>)
    %dma_start3A_43 = arith.constant 0 : i32
    %dma_start3A_44 = arith.constant 1 : i32
    %dma_start3A_45 = arith.constant 1 : i32
    %dma_start3A_46 = arith.constant 0 : i32
    %dma_start3A_47 = arith.constant 0 : i32
    %dma_start3A_48 = tpu.memref_slice %arg8[%dma_start3A_45, %dma_start3A_46, %dma_start3A_47] : memref<2x200x64xf32, #tpu.memory_space<vmem>> -> memref<1x128x64xf32, #tpu.memory_space<vmem>>
    %dma_start3A_49 = tpu.memref_squeeze %dma_start3A_48 : memref<1x128x64xf32, #tpu.memory_space<vmem>> -> memref<128x64xf32, #tpu.memory_space<vmem>>
    %dma_start3A_50 = arith.constant 0 : i32
    %dma_start3A_51 = tpu.memref_slice %arg6[%dma_start3A_43, %dma_start3A_44, %dma_start3A_50] : memref<2x32x200xi32, #tpu.memory_space<vmem>> -> memref<1x1x128xi32, #tpu.memory_space<vmem>>
    %dma_start3A_52 = tpu.memref_squeeze %dma_start3A_51 : memref<1x1x128xi32, #tpu.memory_space<vmem>> -> memref<128xi32, #tpu.memory_space<vmem>>
    %dma_start3A_53 = arith.constant 0 : i32
    %dma_start3A_54 = arith.constant 0 : i32
    %dma_start3A_55 = tpu.memref_slice %arg3[%dma_start3A_53, %dma_start3A_54] : memref<1000000x64xf32, #tpu.memory_space<hbm>> -> memref<1000000x64xf32, #tpu.memory_space<hbm>>
    tpu.enqueue_indirect_dma source(%dma_start3A_55 : memref<1000000x64xf32, #tpu.memory_space<hbm>>) target(%dma_start3A_49 : memref<128x64xf32, #tpu.memory_space<vmem>>) offsets(%dma_start3A_52 : memref<128xi32, #tpu.memory_space<vmem>>) semaphore(%arg11 : memref<!tpu.dma_semaphore, #tpu.memory_space<semaphore_mem>>)
    %dma_start3A_56 = arith.constant 0 : i32
    %dma_start3A_57 = arith.constant 1 : i32
    %dma_start3A_58 = arith.constant 1 : i32
    %dma_start3A_59 = arith.constant 128 : i32
    %dma_start3A_60 = arith.constant 0 : i32
    %dma_start3A_61 = tpu.memref_slice %arg8[%dma_start3A_58, %dma_start3A_59, %dma_start3A_60] : memref<2x200x64xf32, #tpu.memory_space<vmem>> -> memref<1x72x64xf32, #tpu.memory_space<vmem>>
    %dma_start3A_62 = tpu.memref_squeeze %dma_start3A_61 : memref<1x72x64xf32, #tpu.memory_space<vmem>> -> memref<72x64xf32, #tpu.memory_space<vmem>>
    %dma_start3A_63 = arith.constant 128 : i32
    %dma_start3A_64 = tpu.memref_slice %arg6[%dma_start3A_56, %dma_start3A_57, %dma_start3A_63] : memref<2x32x200xi32, #tpu.memory_space<vmem>> -> memref<1x1x72xi32, #tpu.memory_space<vmem>>
    %dma_start3A_65 = tpu.memref_squeeze %dma_start3A_64 : memref<1x1x72xi32, #tpu.memory_space<vmem>> -> memref<72xi32, #tpu.memory_space<vmem>>
    %dma_start3A_66 = arith.constant 0 : i32
    %dma_start3A_67 = arith.constant 0 : i32
    %dma_start3A_68 = tpu.memref_slice %arg3[%dma_start3A_66, %dma_start3A_67] : memref<1000000x64xf32, #tpu.memory_space<hbm>> -> memref<1000000x64xf32, #tpu.memory_space<hbm>>
    tpu.enqueue_indirect_dma source(%dma_start3A_68 : memref<1000000x64xf32, #tpu.memory_space<hbm>>) target(%dma_start3A_62 : memref<72x64xf32, #tpu.memory_space<vmem>>) offsets(%dma_start3A_65 : memref<72xi32, #tpu.memory_space<vmem>>) semaphore(%arg11 : memref<!tpu.dma_semaphore, #tpu.memory_space<semaphore_mem>>)
    %scan3A = arith.constant 0 : i32
    %scan3A_69 = arith.constant 0 : i32
    %scan3A_70 = arith.constant 64 : i32
    %scan3A_71 = arith.addi %scan3A_69, %scan3A_70 : i32
    %scan3A_72 = arith.constant 1 : i32
    scf.for %scan3A_103 = %scan3A_69 to %scan3A_71 step %scan3A_72  : i32 {
      %mul3A_104 = arith.constant 2 : i32
      %mul3A_105 = arith.muli %mul3A_104, %scan3A_103 : i32
      %dma_wait3A_106 = arith.constant 0 : i32
      %dma_wait3A_107 = arith.constant 0 : i32
      %dma_wait3A_108 = arith.constant 0 : i32
      %dma_wait3A_109 = arith.constant 0 : i32
      %dma_wait3A_110 = arith.constant 0 : i32
      %dma_wait3A_111 = tpu.memref_slice %arg8[%dma_wait3A_108, %dma_wait3A_109, %dma_wait3A_110] : memref<2x200x64xf32, #tpu.memory_space<vmem>> -> memref<1x128x64xf32, #tpu.memory_space<vmem>>
      %dma_wait3A_112 = tpu.memref_squeeze %dma_wait3A_111 : memref<1x128x64xf32, #tpu.memory_space<vmem>> -> memref<128x64xf32, #tpu.memory_space<vmem>>
      %dma_wait3A_113 = arith.constant 0 : i32
      %dma_wait3A_114 = tpu.memref_slice %arg6[%dma_wait3A_106, %dma_wait3A_107, %dma_wait3A_113] : memref<2x32x200xi32, #tpu.memory_space<vmem>> -> memref<1x1x128xi32, #tpu.memory_space<vmem>>
      %dma_wait3A_115 = tpu.memref_squeeze %dma_wait3A_114 : memref<1x1x128xi32, #tpu.memory_space<vmem>> -> memref<128xi32, #tpu.memory_space<vmem>>
      %dma_wait3A_116 = arith.constant 0 : i32
      %dma_wait3A_117 = arith.constant 0 : i32
      %dma_wait3A_118 = tpu.memref_slice %arg3[%dma_wait3A_116, %dma_wait3A_117] : memref<1000000x64xf32, #tpu.memory_space<hbm>> -> memref<1000000x64xf32, #tpu.memory_space<hbm>>
      tpu.wait_indirect_dma semaphore(%arg10 : memref<!tpu.dma_semaphore, #tpu.memory_space<semaphore_mem>>) src(%dma_wait3A_118 : memref<1000000x64xf32, #tpu.memory_space<hbm>>) dst(%dma_wait3A_112 : memref<128x64xf32, #tpu.memory_space<vmem>>)
      %dma_wait3A_119 = arith.constant 0 : i32
      %dma_wait3A_120 = arith.constant 0 : i32
      %dma_wait3A_121 = arith.constant 0 : i32
      %dma_wait3A_122 = arith.constant 128 : i32
      %dma_wait3A_123 = arith.constant 0 : i32
      %dma_wait3A_124 = tpu.memref_slice %arg8[%dma_wait3A_121, %dma_wait3A_122, %dma_wait3A_123] : memref<2x200x64xf32, #tpu.memory_space<vmem>> -> memref<1x72x64xf32, #tpu.memory_space<vmem>>
      %dma_wait3A_125 = tpu.memref_squeeze %dma_wait3A_124 : memref<1x72x64xf32, #tpu.memory_space<vmem>> -> memref<72x64xf32, #tpu.memory_space<vmem>>
      %dma_wait3A_126 = arith.constant 128 : i32
      %dma_wait3A_127 = tpu.memref_slice %arg6[%dma_wait3A_119, %dma_wait3A_120, %dma_wait3A_126] : memref<2x32x200xi32, #tpu.memory_space<vmem>> -> memref<1x1x72xi32, #tpu.memory_space<vmem>>
      %dma_wait3A_128 = tpu.memref_squeeze %dma_wait3A_127 : memref<1x1x72xi32, #tpu.memory_space<vmem>> -> memref<72xi32, #tpu.memory_space<vmem>>
      %dma_wait3A_129 = arith.constant 0 : i32
      %dma_wait3A_130 = arith.constant 0 : i32
      %dma_wait3A_131 = tpu.memref_slice %arg3[%dma_wait3A_129, %dma_wait3A_130] : memref<1000000x64xf32, #tpu.memory_space<hbm>> -> memref<1000000x64xf32, #tpu.memory_space<hbm>>
      tpu.wait_indirect_dma semaphore(%arg10 : memref<!tpu.dma_semaphore, #tpu.memory_space<semaphore_mem>>) src(%dma_wait3A_131 : memref<1000000x64xf32, #tpu.memory_space<hbm>>) dst(%dma_wait3A_125 : memref<72x64xf32, #tpu.memory_space<vmem>>)
      %ge3A = arith.constant 2 : i32
      %ge3A_132 = arith.cmpi sge, %mul3A_105, %ge3A : i32
      %convert_element_type3A = arith.extui %ge3A_132 : i1 to i32
      %cond3A = arith.constant 0 : i32
      %cond3A_133 = arith.cmpi ne, %convert_element_type3A, %cond3A : i32
      scf.if %cond3A_133 {
        %mul3A_336 = arith.constant 100 : i32
        %mul3A_337 = arith.muli %mul3A_2, %mul3A_336 : i32
        %dma_wait3A_338 = arith.constant 0 : i32
        %dma_wait3A_339 = arith.constant 0 : i32
        %dma_wait3A_340 = arith.constant 0 : i32
        %dma_wait3A_341 = tpu.memref_slice %arg9[%dma_wait3A_338, %dma_wait3A_339, %dma_wait3A_340] : memref<2x100x128xf32, #tpu.memory_space<vmem>> -> memref<1x100x128xf32, #tpu.memory_space<vmem>>
        %dma_wait3A_342 = tpu.memref_squeeze %dma_wait3A_341 : memref<1x100x128xf32, #tpu.memory_space<vmem>> -> memref<100x128xf32, #tpu.memory_space<vmem>>
        %dma_wait3A_343 = arith.constant 0 : i32
        %dma_wait3A_344 = tpu.memref_slice %arg5[%mul3A_337, %dma_wait3A_343] : memref<409600x128xf32, #tpu.memory_space<hbm>> -> memref<100x128xf32, #tpu.memory_space<hbm>>
        %dma_wait3A_345 = arith.constant 0 : i32
        %dma_wait3A_346 = tpu.memref_slice %arg5[%mul3A_337, %dma_wait3A_345] : memref<409600x128xf32, #tpu.memory_space<hbm>> -> memref<100x128xf32, #tpu.memory_space<hbm>>
        %dma_wait3A_347 = arith.constant 0 : i32
        %dma_wait3A_348 = arith.constant 0 : i32
        %dma_wait3A_349 = tpu.memref_slice %arg9[%dma_wait3A_338, %dma_wait3A_347, %dma_wait3A_348] : memref<2x100x128xf32, #tpu.memory_space<vmem>> -> memref<1x100x128xf32, #tpu.memory_space<vmem>>
        %dma_wait3A_350 = tpu.memref_squeeze %dma_wait3A_349 : memref<1x100x128xf32, #tpu.memory_space<vmem>> -> memref<100x128xf32, #tpu.memory_space<vmem>>
        tpu.wait_dma2 semaphore(%arg12 : memref<!tpu.dma_semaphore, #tpu.memory_space<semaphore_mem>>) src(%dma_wait3A_350 : memref<100x128xf32, #tpu.memory_space<vmem>>) dst(%dma_wait3A_346 : memref<100x128xf32, #tpu.memory_space<hbm>>)
      } else {
      }
      %scan3A_134 = arith.constant 0 : i32
      %scan3A_135 = arith.constant 0 : i32
      %scan3A_136 = arith.constant 100 : i32
      %scan3A_137 = arith.addi %scan3A_135, %scan3A_136 : i32
      %scan3A_138 = arith.constant 1 : i32
      scf.for %scan3A_336 = %scan3A_135 to %scan3A_137 step %scan3A_138  : i32 {
        %mul3A_337 = arith.constant 2 : i32
        %mul3A_338 = arith.muli %mul3A_337, %scan3A_336 : i32
        %add3A_339 = arith.constant 0 : i32
        %add3A_340 = arith.addi %mul3A_338, %add3A_339 : i32
        %get3A = arith.constant 0 : i32
        %get3A_341 = arith.index_cast %get3A : i32 to index
        %get3A_342 = arith.index_cast %add3A_340 : i32 to index
        %get3A_343 = arith.constant 0 : index
        %get3A_344 = tpu.vector_load %arg8[%get3A_341, %get3A_342, %get3A_343] {strides = array<i32>} : memref<2x200x64xf32, #tpu.memory_space<vmem>>, vector<1x1x16xf32>,
        %get3A_345 = vector.shape_cast %get3A_344 : vector<1x1x16xf32> to vector<16xf32>
        %mul3A_346 = arith.constant 8.000000e+00 : f32
        %mul3A_347 = vector.broadcast %mul3A_346 : f32 to vector<16xf32>
        %mul3A_348 = arith.mulf %get3A_345, %mul3A_347 : vector<16xf32>
        %get3A_349 = arith.index_cast %add3A_340 : i32 to index
        %get3A_350 = arith.constant 0 : index
        %get3A_351 = tpu.vector_load %arg7[%get3A_349, %get3A_350] {strides = array<i32>} : memref<200x64xf32, #tpu.memory_space<vmem>>, vector<1x16xf32>,
        %get3A_352 = vector.shape_cast %get3A_351 : vector<1x16xf32> to vector<16xf32>
        %add3A_353 = arith.addf %mul3A_348, %get3A_352 : vector<16xf32>
        %swap3A = arith.constant 0 : i32
        %swap3A_354 = arith.index_cast %swap3A : i32 to index
        %swap3A_355 = arith.index_cast %scan3A_336 : i32 to index
        %swap3A_356 = arith.constant 0 : index
        %swap3A_357 = tpu.vector_load %arg9[%swap3A_354, %swap3A_355, %swap3A_356] {strides = array<i32>} : memref<2x100x128xf32, #tpu.memory_space<vmem>>, vector<1x1x16xf32>,
        %swap3A_358 = vector.shape_cast %swap3A_357 : vector<1x1x16xf32> to vector<16xf32>
        %swap3A_359 = vector.shape_cast %add3A_353 : vector<16xf32> to vector<1x1x16xf32>
        tpu.vector_store %arg9[%swap3A_354, %swap3A_355, %swap3A_356], %swap3A_359 {strides = array<i32>} : memref<2x100x128xf32, #tpu.memory_space<vmem>>, vector<1x1x16xf32>,
        %get3A_360 = arith.constant 0 : i32
        %get3A_361 = arith.index_cast %get3A_360 : i32 to index
        %get3A_362 = arith.index_cast %add3A_340 : i32 to index
        %get3A_363 = arith.constant 16 : index
        %get3A_364 = tpu.vector_load %arg8[%get3A_361, %get3A_362, %get3A_363] {strides = array<i32>} : memref<2x200x64xf32, #tpu.memory_space<vmem>>, vector<1x1x16xf32>,
        %get3A_365 = vector.shape_cast %get3A_364 : vector<1x1x16xf32> to vector<16xf32>
        %mul3A_366 = arith.constant 8.000000e+00 : f32
        %mul3A_367 = vector.broadcast %mul3A_366 : f32 to vector<16xf32>
        %mul3A_368 = arith.mulf %get3A_365, %mul3A_367 : vector<16xf32>
        %get3A_369 = arith.index_cast %add3A_340 : i32 to index
        %get3A_370 = arith.constant 16 : index
        %get3A_371 = tpu.vector_load %arg7[%get3A_369, %get3A_370] {strides = array<i32>} : memref<200x64xf32, #tpu.memory_space<vmem>>, vector<1x16xf32>,
        %get3A_372 = vector.shape_cast %get3A_371 : vector<1x16xf32> to vector<16xf32>
        %add3A_373 = arith.addf %mul3A_368, %get3A_372 : vector<16xf32>
        %swap3A_374 = arith.constant 0 : i32
        %swap3A_375 = arith.index_cast %swap3A_374 : i32 to index
        %swap3A_376 = arith.index_cast %scan3A_336 : i32 to index
        %swap3A_377 = arith.constant 16 : index
        %swap3A_378 = tpu.vector_load %arg9[%swap3A_375, %swap3A_376, %swap3A_377] {strides = array<i32>} : memref<2x100x128xf32, #tpu.memory_space<vmem>>, vector<1x1x16xf32>,
        %swap3A_379 = vector.shape_cast %swap3A_378 : vector<1x1x16xf32> to vector<16xf32>
        %swap3A_380 = vector.shape_cast %add3A_373 : vector<16xf32> to vector<1x1x16xf32>
        tpu.vector_store %arg9[%swap3A_375, %swap3A_376, %swap3A_377], %swap3A_380 {strides = array<i32>} : memref<2x100x128xf32, #tpu.memory_space<vmem>>, vector<1x1x16xf32>,
        %get3A_381 = arith.constant 0 : i32
        %get3A_382 = arith.index_cast %get3A_381 : i32 to index
        %get3A_383 = arith.index_cast %add3A_340 : i32 to index
        %get3A_384 = arith.constant 32 : index
        %get3A_385 = tpu.vector_load %arg8[%get3A_382, %get3A_383, %get3A_384] {strides = array<i32>} : memref<2x200x64xf32, #tpu.memory_space<vmem>>, vector<1x1x16xf32>,
        %get3A_386 = vector.shape_cast %get3A_385 : vector<1x1x16xf32> to vector<16xf32>
        %mul3A_387 = arith.constant 8.000000e+00 : f32
        %mul3A_388 = vector.broadcast %mul3A_387 : f32 to vector<16xf32>
        %mul3A_389 = arith.mulf %get3A_386, %mul3A_388 : vector<16xf32>
        %get3A_390 = arith.index_cast %add3A_340 : i32 to index
        %get3A_391 = arith.constant 32 : index
        %get3A_392 = tpu.vector_load %arg7[%get3A_390, %get3A_391] {strides = array<i32>} : memref<200x64xf32, #tpu.memory_space<vmem>>, vector<1x16xf32>,
        %get3A_393 = vector.shape_cast %get3A_392 : vector<1x16xf32> to vector<16xf32>
        %add3A_394 = arith.addf %mul3A_389, %get3A_393 : vector<16xf32>
        %swap3A_395 = arith.constant 0 : i32
        %swap3A_396 = arith.index_cast %swap3A_395 : i32 to index
        %swap3A_397 = arith.index_cast %scan3A_336 : i32 to index
        %swap3A_398 = arith.constant 32 : index
        %swap3A_399 = tpu.vector_load %arg9[%swap3A_396, %swap3A_397, %swap3A_398] {strides = array<i32>} : memref<2x100x128xf32, #tpu.memory_space<vmem>>, vector<1x1x16xf32>,
        %swap3A_400 = vector.shape_cast %swap3A_399 : vector<1x1x16xf32> to vector<16xf32>
        %swap3A_401 = vector.shape_cast %add3A_394 : vector<16xf32> to vector<1x1x16xf32>
        tpu.vector_store %arg9[%swap3A_396, %swap3A_397, %swap3A_398], %swap3A_401 {strides = array<i32>} : memref<2x100x128xf32, #tpu.memory_space<vmem>>, vector<1x1x16xf32>,
        %get3A_402 = arith.constant 0 : i32
        %get3A_403 = arith.index_cast %get3A_402 : i32 to index
        %get3A_404 = arith.index_cast %add3A_340 : i32 to index
        %get3A_405 = arith.constant 48 : index
        %get3A_406 = tpu.vector_load %arg8[%get3A_403, %get3A_404, %get3A_405] {strides = array<i32>} : memref<2x200x64xf32, #tpu.memory_space<vmem>>, vector<1x1x16xf32>,
        %get3A_407 = vector.shape_cast %get3A_406 : vector<1x1x16xf32> to vector<16xf32>
        %mul3A_408 = arith.constant 8.000000e+00 : f32
        %mul3A_409 = vector.broadcast %mul3A_408 : f32 to vector<16xf32>
        %mul3A_410 = arith.mulf %get3A_407, %mul3A_409 : vector<16xf32>
        %get3A_411 = arith.index_cast %add3A_340 : i32 to index
        %get3A_412 = arith.constant 48 : index
        %get3A_413 = tpu.vector_load %arg7[%get3A_411, %get3A_412] {strides = array<i32>} : memref<200x64xf32, #tpu.memory_space<vmem>>, vector<1x16xf32>,
        %get3A_414 = vector.shape_cast %get3A_413 : vector<1x16xf32> to vector<16xf32>
        %add3A_415 = arith.addf %mul3A_410, %get3A_414 : vector<16xf32>
        %swap3A_416 = arith.constant 0 : i32
        %swap3A_417 = arith.index_cast %swap3A_416 : i32 to index
        %swap3A_418 = arith.index_cast %scan3A_336 : i32 to index
        %swap3A_419 = arith.constant 48 : index
        %swap3A_420 = tpu.vector_load %arg9[%swap3A_417, %swap3A_418, %swap3A_419] {strides = array<i32>} : memref<2x100x128xf32, #tpu.memory_space<vmem>>, vector<1x1x16xf32>,
        %swap3A_421 = vector.shape_cast %swap3A_420 : vector<1x1x16xf32> to vector<16xf32>
        %swap3A_422 = vector.shape_cast %add3A_415 : vector<16xf32> to vector<1x1x16xf32>
        tpu.vector_store %arg9[%swap3A_417, %swap3A_418, %swap3A_419], %swap3A_422 {strides = array<i32>} : memref<2x100x128xf32, #tpu.memory_space<vmem>>, vector<1x1x16xf32>,
        %mul3A_423 = arith.constant 2 : i32
        %mul3A_424 = arith.muli %mul3A_423, %scan3A_336 : i32
        %add3A_425 = arith.constant 1 : i32
        %add3A_426 = arith.addi %mul3A_424, %add3A_425 : i32
        %get3A_427 = arith.constant 0 : i32
        %get3A_428 = arith.index_cast %get3A_427 : i32 to index
        %get3A_429 = arith.index_cast %add3A_426 : i32 to index
        %get3A_430 = arith.constant 0 : index
        %get3A_431 = tpu.vector_load %arg8[%get3A_428, %get3A_429, %get3A_430] {strides = array<i32>} : memref<2x200x64xf32, #tpu.memory_space<vmem>>, vector<1x1x16xf32>,
        %get3A_432 = vector.shape_cast %get3A_431 : vector<1x1x16xf32> to vector<16xf32>
        %mul3A_433 = arith.constant 8.000000e+00 : f32
        %mul3A_434 = vector.broadcast %mul3A_433 : f32 to vector<16xf32>
        %mul3A_435 = arith.mulf %get3A_432, %mul3A_434 : vector<16xf32>
        %get3A_436 = arith.index_cast %add3A_426 : i32 to index
        %get3A_437 = arith.constant 0 : index
        %get3A_438 = tpu.vector_load %arg7[%get3A_436, %get3A_437] {strides = array<i32>} : memref<200x64xf32, #tpu.memory_space<vmem>>, vector<1x16xf32>,
        %get3A_439 = vector.shape_cast %get3A_438 : vector<1x16xf32> to vector<16xf32>
        %add3A_440 = arith.addf %mul3A_435, %get3A_439 : vector<16xf32>
        %swap3A_441 = arith.constant 0 : i32
        %swap3A_442 = arith.index_cast %swap3A_441 : i32 to index
        %swap3A_443 = arith.index_cast %scan3A_336 : i32 to index
        %swap3A_444 = arith.constant 64 : index
        %swap3A_445 = tpu.vector_load %arg9[%swap3A_442, %swap3A_443, %swap3A_444] {strides = array<i32>} : memref<2x100x128xf32, #tpu.memory_space<vmem>>, vector<1x1x16xf32>,
        %swap3A_446 = vector.shape_cast %swap3A_445 : vector<1x1x16xf32> to vector<16xf32>
        %swap3A_447 = vector.shape_cast %add3A_440 : vector<16xf32> to vector<1x1x16xf32>
        tpu.vector_store %arg9[%swap3A_442, %swap3A_443, %swap3A_444], %swap3A_447 {strides = array<i32>} : memref<2x100x128xf32, #tpu.memory_space<vmem>>, vector<1x1x16xf32>,
        %get3A_448 = arith.constant 0 : i32
        %get3A_449 = arith.index_cast %get3A_448 : i32 to index
        %get3A_450 = arith.index_cast %add3A_426 : i32 to index
        %get3A_451 = arith.constant 16 : index
        %get3A_452 = tpu.vector_load %arg8[%get3A_449, %get3A_450, %get3A_451] {strides = array<i32>} : memref<2x200x64xf32, #tpu.memory_space<vmem>>, vector<1x1x16xf32>,
        %get3A_453 = vector.shape_cast %get3A_452 : vector<1x1x16xf32> to vector<16xf32>
        %mul3A_454 = arith.constant 8.000000e+00 : f32
        %mul3A_455 = vector.broadcast %mul3A_454 : f32 to vector<16xf32>
        %mul3A_456 = arith.mulf %get3A_453, %mul3A_455 : vector<16xf32>
        %get3A_457 = arith.index_cast %add3A_426 : i32 to index
        %get3A_458 = arith.constant 16 : index
        %get3A_459 = tpu.vector_load %arg7[%get3A_457, %get3A_458] {strides = array<i32>} : memref<200x64xf32, #tpu.memory_space<vmem>>, vector<1x16xf32>,
        %get3A_460 = vector.shape_cast %get3A_459 : vector<1x16xf32> to vector<16xf32>
        %add3A_461 = arith.addf %mul3A_456, %get3A_460 : vector<16xf32>
        %swap3A_462 = arith.constant 0 : i32
        %swap3A_463 = arith.index_cast %swap3A_462 : i32 to index
        %swap3A_464 = arith.index_cast %scan3A_336 : i32 to index
        %swap3A_465 = arith.constant 80 : index
        %swap3A_466 = tpu.vector_load %arg9[%swap3A_463, %swap3A_464, %swap3A_465] {strides = array<i32>} : memref<2x100x128xf32, #tpu.memory_space<vmem>>, vector<1x1x16xf32>,
        %swap3A_467 = vector.shape_cast %swap3A_466 : vector<1x1x16xf32> to vector<16xf32>
        %swap3A_468 = vector.shape_cast %add3A_461 : vector<16xf32> to vector<1x1x16xf32>
        tpu.vector_store %arg9[%swap3A_463, %swap3A_464, %swap3A_465], %swap3A_468 {strides = array<i32>} : memref<2x100x128xf32, #tpu.memory_space<vmem>>, vector<1x1x16xf32>,
        %get3A_469 = arith.constant 0 : i32
        %get3A_470 = arith.index_cast %get3A_469 : i32 to index
        %get3A_471 = arith.index_cast %add3A_426 : i32 to index
        %get3A_472 = arith.constant 32 : index
        %get3A_473 = tpu.vector_load %arg8[%get3A_470, %get3A_471, %get3A_472] {strides = array<i32>} : memref<2x200x64xf32, #tpu.memory_space<vmem>>, vector<1x1x16xf32>,
        %get3A_474 = vector.shape_cast %get3A_473 : vector<1x1x16xf32> to vector<16xf32>
        %mul3A_475 = arith.constant 8.000000e+00 : f32
        %mul3A_476 = vector.broadcast %mul3A_475 : f32 to vector<16xf32>
        %mul3A_477 = arith.mulf %get3A_474, %mul3A_476 : vector<16xf32>
        %get3A_478 = arith.index_cast %add3A_426 : i32 to index
        %get3A_479 = arith.constant 32 : index
        %get3A_480 = tpu.vector_load %arg7[%get3A_478, %get3A_479] {strides = array<i32>} : memref<200x64xf32, #tpu.memory_space<vmem>>, vector<1x16xf32>,
        %get3A_481 = vector.shape_cast %get3A_480 : vector<1x16xf32> to vector<16xf32>
        %add3A_482 = arith.addf %mul3A_477, %get3A_481 : vector<16xf32>
        %swap3A_483 = arith.constant 0 : i32
        %swap3A_484 = arith.index_cast %swap3A_483 : i32 to index
        %swap3A_485 = arith.index_cast %scan3A_336 : i32 to index
        %swap3A_486 = arith.constant 96 : index
        %swap3A_487 = tpu.vector_load %arg9[%swap3A_484, %swap3A_485, %swap3A_486] {strides = array<i32>} : memref<2x100x128xf32, #tpu.memory_space<vmem>>, vector<1x1x16xf32>,
        %swap3A_488 = vector.shape_cast %swap3A_487 : vector<1x1x16xf32> to vector<16xf32>
        %swap3A_489 = vector.shape_cast %add3A_482 : vector<16xf32> to vector<1x1x16xf32>
        tpu.vector_store %arg9[%swap3A_484, %swap3A_485, %swap3A_486], %swap3A_489 {strides = array<i32>} : memref<2x100x128xf32, #tpu.memory_space<vmem>>, vector<1x1x16xf32>,
        %get3A_490 = arith.constant 0 : i32
        %get3A_491 = arith.index_cast %get3A_490 : i32 to index
        %get3A_492 = arith.index_cast %add3A_426 : i32 to index
        %get3A_493 = arith.constant 48 : index
        %get3A_494 = tpu.vector_load %arg8[%get3A_491, %get3A_492, %get3A_493] {strides = array<i32>} : memref<2x200x64xf32, #tpu.memory_space<vmem>>, vector<1x1x16xf32>,
        %get3A_495 = vector.shape_cast %get3A_494 : vector<1x1x16xf32> to vector<16xf32>
        %mul3A_496 = arith.constant 8.000000e+00 : f32
        %mul3A_497 = vector.broadcast %mul3A_496 : f32 to vector<16xf32>
        %mul3A_498 = arith.mulf %get3A_495, %mul3A_497 : vector<16xf32>
        %get3A_499 = arith.index_cast %add3A_426 : i32 to index
        %get3A_500 = arith.constant 48 : index
        %get3A_501 = tpu.vector_load %arg7[%get3A_499, %get3A_500] {strides = array<i32>} : memref<200x64xf32, #tpu.memory_space<vmem>>, vector<1x16xf32>,
        %get3A_502 = vector.shape_cast %get3A_501 : vector<1x16xf32> to vector<16xf32>
        %add3A_503 = arith.addf %mul3A_498, %get3A_502 : vector<16xf32>
        %swap3A_504 = arith.constant 0 : i32
        %swap3A_505 = arith.index_cast %swap3A_504 : i32 to index
        %swap3A_506 = arith.index_cast %scan3A_336 : i32 to index
        %swap3A_507 = arith.constant 112 : index
        %swap3A_508 = tpu.vector_load %arg9[%swap3A_505, %swap3A_506, %swap3A_507] {strides = array<i32>} : memref<2x100x128xf32, #tpu.memory_space<vmem>>, vector<1x1x16xf32>,
        %swap3A_509 = vector.shape_cast %swap3A_508 : vector<1x1x16xf32> to vector<16xf32>
        %swap3A_510 = vector.shape_cast %add3A_503 : vector<16xf32> to vector<1x1x16xf32>
        tpu.vector_store %arg9[%swap3A_505, %swap3A_506, %swap3A_507], %swap3A_510 {strides = array<i32>} : memref<2x100x128xf32, #tpu.memory_space<vmem>>, vector<1x1x16xf32>,
      }
      %scan3A_139 = arith.constant 100 : i32
      %add3A_140 = arith.addi %mul3A_2, %mul3A_105 : i32
      %mul3A_141 = arith.constant 100 : i32
      %mul3A_142 = arith.muli %add3A_140, %mul3A_141 : i32
      %dma_start3A_143 = arith.constant 0 : i32
      %dma_start3A_144 = arith.constant 0 : i32
      %dma_start3A_145 = arith.constant 0 : i32
      %dma_start3A_146 = tpu.memref_slice %arg9[%dma_start3A_143, %dma_start3A_144, %dma_start3A_145] : memref<2x100x128xf32, #tpu.memory_space<vmem>> -> memref<1x100x128xf32, #tpu.memory_space<vmem>>
      %dma_start3A_147 = tpu.memref_squeeze %dma_start3A_146 : memref<1x100x128xf32, #tpu.memory_space<vmem>> -> memref<100x128xf32, #tpu.memory_space<vmem>>
      %dma_start3A_148 = arith.constant 0 : i32
      %dma_start3A_149 = tpu.memref_slice %arg5[%mul3A_142, %dma_start3A_148] : memref<409600x128xf32, #tpu.memory_space<hbm>> -> memref<100x128xf32, #tpu.memory_space<hbm>>
      %dma_start3A_150 = arith.constant 0 : i32
      %dma_start3A_151 = tpu.memref_slice %arg5[%mul3A_142, %dma_start3A_150] : memref<409600x128xf32, #tpu.memory_space<hbm>> -> memref<100x128xf32, #tpu.memory_space<hbm>>
      %dma_start3A_152 = arith.constant 0 : i32
      %dma_start3A_153 = arith.constant 0 : i32
      %dma_start3A_154 = tpu.memref_slice %arg9[%dma_start3A_143, %dma_start3A_152, %dma_start3A_153] : memref<2x100x128xf32, #tpu.memory_space<vmem>> -> memref<1x100x128xf32, #tpu.memory_space<vmem>>
      %dma_start3A_155 = tpu.memref_squeeze %dma_start3A_154 : memref<1x100x128xf32, #tpu.memory_space<vmem>> -> memref<100x128xf32, #tpu.memory_space<vmem>>
      tpu.enqueue_dma source(%dma_start3A_155 : memref<100x128xf32, #tpu.memory_space<vmem>>) target(%dma_start3A_151 : memref<100x128xf32, #tpu.memory_space<hbm>>) target_semaphore(%arg12 : memref<!tpu.dma_semaphore, #tpu.memory_space<semaphore_mem>>)
      %add3A_156 = arith.constant 1 : i32
      %add3A_157 = arith.addi %mul3A_105, %add3A_156 : i32
      %jit3A = arith.constant 32 : i32
      %eq3A = arith.constant 0 : i32
      %eq3A_158 = arith.cmpi eq, %jit3A, %eq3A : i32
      %jit3A_159 = arith.constant 1 : i32
      %select_n3A = arith.select %eq3A_158, %jit3A_159, %jit3A : i32
      %rem3A = arith.remsi %add3A_157, %select_n3A : i32
      %ne3A = arith.constant 0 : i32
      %ne3A_160 = arith.cmpi ne, %rem3A, %ne3A : i32
      %lt3A = arith.constant 0 : i32
      %lt3A_161 = arith.cmpi slt, %rem3A, %lt3A : i32
      %lt3A_162 = arith.constant 0 : i32
      %lt3A_163 = arith.cmpi slt, %select_n3A, %lt3A_162 : i32
      %ne3A_164 = arith.xori %lt3A_161, %lt3A_163 : i1
      %and3A = arith.andi %ne3A_164, %ne3A_160 : i1
      %add3A_165 = arith.addi %rem3A, %select_n3A : i32
      %select_n3A_166 = arith.select %and3A, %add3A_165, %rem3A : i32
      %eq3A_167 = arith.constant 0 : i32
      %eq3A_168 = arith.cmpi eq, %select_n3A_166, %eq3A_167 : i32
      %add3A_169 = arith.constant 1 : i32
      %add3A_170 = arith.addi %mul3A_105, %add3A_169 : i32
      %add3A_171 = arith.constant 32 : i32
      %add3A_172 = arith.addi %add3A_170, %add3A_171 : i32
      %lt3A_173 = arith.constant 128 : i32
      %lt3A_174 = arith.cmpi slt, %add3A_172, %lt3A_173 : i32
      %and3A_175 = arith.andi %eq3A_168, %lt3A_174 : i1
      %convert_element_type3A_176 = arith.extui %and3A_175 : i1 to i32
      %cond3A_177 = arith.constant 0 : i32
      %cond3A_178 = arith.cmpi ne, %convert_element_type3A_176, %cond3A_177 : i32
      scf.if %cond3A_178 {
        %add3A_336 = arith.constant 1 : i32
        %add3A_337 = arith.addi %mul3A_105, %add3A_336 : i32
        %jit3A_338 = arith.constant 32 : i32
        %div3A = arith.divsi %add3A_337, %jit3A_338 : i32
        %sign3A = arith.constant 0 : i32
        %sign3A_339 = arith.cmpi sgt, %add3A_337, %sign3A : i32
        %sign3A_340 = arith.extui %sign3A_339 : i1 to i32
        %sign3A_341 = arith.constant 0 : i32
        %sign3A_342 = arith.cmpi slt, %add3A_337, %sign3A_341 : i32
        %sign3A_343 = arith.extui %sign3A_342 : i1 to i32
        %sign3A_344 = arith.subi %sign3A_340, %sign3A_343 : i32
        %sign3A_345 = arith.constant 0 : i32
        %sign3A_346 = arith.cmpi sgt, %jit3A_338, %sign3A_345 : i32
        %sign3A_347 = arith.extui %sign3A_346 : i1 to i32
        %sign3A_348 = arith.constant 0 : i32
        %sign3A_349 = arith.cmpi slt, %jit3A_338, %sign3A_348 : i32
        %sign3A_350 = arith.extui %sign3A_349 : i1 to i32
        %sign3A_351 = arith.subi %sign3A_347, %sign3A_350 : i32
        %ne3A_352 = arith.cmpi ne, %sign3A_344, %sign3A_351 : i32
        %rem3A_353 = arith.remsi %add3A_337, %jit3A_338 : i32
        %ne3A_354 = arith.constant 0 : i32
        %ne3A_355 = arith.cmpi ne, %rem3A_353, %ne3A_354 : i32
        %and3A_356 = arith.andi %ne3A_352, %ne3A_355 : i1
        %sub3A = arith.constant 1 : i32
        %sub3A_357 = arith.subi %div3A, %sub3A : i32
        %select_n3A_358 = arith.select %and3A_356, %sub3A_357, %div3A : i32
        %add3A_359 = arith.constant 1 : i32
        %add3A_360 = arith.addi %select_n3A_358, %add3A_359 : i32
        %mul3A_361 = arith.constant 32 : i32
        %mul3A_362 = arith.muli %add3A_360, %mul3A_361 : i32
        %add3A_363 = arith.addi %mul3A_2, %mul3A_362 : i32
        %and3A_364 = arith.constant 1 : i32
        %and3A_365 = arith.andi %add3A_360, %and3A_364 : i32
        %dma_start3A_366 = arith.constant 0 : i32
        %dma_start3A_367 = arith.constant 0 : i32
        %dma_start3A_368 = tpu.memref_slice %arg6[%and3A_365, %dma_start3A_366, %dma_start3A_367] : memref<2x32x200xi32, #tpu.memory_space<vmem>> -> memref<1x32x200xi32, #tpu.memory_space<vmem>>
        %dma_start3A_369 = tpu.memref_squeeze %dma_start3A_368 : memref<1x32x200xi32, #tpu.memory_space<vmem>> -> memref<32x200xi32, #tpu.memory_space<vmem>>
        %dma_start3A_370 = arith.constant 0 : i32
        %dma_start3A_371 = tpu.memref_slice %arg2[%add3A_363, %dma_start3A_370] : memref<4096x200xi32, #tpu.memory_space<hbm>> -> memref<32x200xi32, #tpu.memory_space<hbm>>
        %dma_start3A_372 = arith.constant 0 : i32
        %dma_start3A_373 = arith.constant 0 : i32
        %dma_start3A_374 = tpu.memref_slice %arg6[%and3A_365, %dma_start3A_372, %dma_start3A_373] : memref<2x32x200xi32, #tpu.memory_space<vmem>> -> memref<1x32x200xi32, #tpu.memory_space<vmem>>
        %dma_start3A_375 = tpu.memref_squeeze %dma_start3A_374 : memref<1x32x200xi32, #tpu.memory_space<vmem>> -> memref<32x200xi32, #tpu.memory_space<vmem>>
        %dma_start3A_376 = arith.constant 0 : i32
        %dma_start3A_377 = tpu.memref_slice %arg2[%add3A_363, %dma_start3A_376] : memref<4096x200xi32, #tpu.memory_space<hbm>> -> memref<32x200xi32, #tpu.memory_space<hbm>>
        tpu.enqueue_dma source(%dma_start3A_377 : memref<32x200xi32, #tpu.memory_space<hbm>>) target(%dma_start3A_375 : memref<32x200xi32, #tpu.memory_space<vmem>>) target_semaphore(%arg14 : memref<!tpu.dma_semaphore, #tpu.memory_space<semaphore_mem>>)
      } else {
      }
      %add3A_179 = arith.constant 2 : i32
      %add3A_180 = arith.addi %mul3A_105, %add3A_179 : i32
      %jit3A_181 = arith.constant 32 : i32
      %eq3A_182 = arith.constant 0 : i32
      %eq3A_183 = arith.cmpi eq, %jit3A_181, %eq3A_182 : i32
      %jit3A_184 = arith.constant 1 : i32
      %select_n3A_185 = arith.select %eq3A_183, %jit3A_184, %jit3A_181 : i32
      %rem3A_186 = arith.remsi %add3A_180, %select_n3A_185 : i32
      %ne3A_187 = arith.constant 0 : i32
      %ne3A_188 = arith.cmpi ne, %rem3A_186, %ne3A_187 : i32
      %lt3A_189 = arith.constant 0 : i32
      %lt3A_190 = arith.cmpi slt, %rem3A_186, %lt3A_189 : i32
      %lt3A_191 = arith.constant 0 : i32
      %lt3A_192 = arith.cmpi slt, %select_n3A_185, %lt3A_191 : i32
      %ne3A_193 = arith.xori %lt3A_190, %lt3A_192 : i1
      %and3A_194 = arith.andi %ne3A_193, %ne3A_188 : i1
      %add3A_195 = arith.addi %rem3A_186, %select_n3A_185 : i32
      %select_n3A_196 = arith.select %and3A_194, %add3A_195, %rem3A_186 : i32
      %eq3A_197 = arith.constant 0 : i32
      %eq3A_198 = arith.cmpi eq, %select_n3A_196, %eq3A_197 : i32
      %add3A_199 = arith.constant 2 : i32
      %add3A_200 = arith.addi %mul3A_105, %add3A_199 : i32
      %lt3A_201 = arith.constant 128 : i32
      %lt3A_202 = arith.cmpi slt, %add3A_200, %lt3A_201 : i32
      %and3A_203 = arith.andi %eq3A_198, %lt3A_202 : i1
      %convert_element_type3A_204 = arith.extui %and3A_203 : i1 to i32
      %cond3A_205 = arith.constant 0 : i32
      %cond3A_206 = arith.cmpi ne, %convert_element_type3A_204, %cond3A_205 : i32
      scf.if %cond3A_206 {
        %dma_wait3A_336 = arith.constant 0 : i32
        %dma_wait3A_337 = arith.constant 0 : i32
        %dma_wait3A_338 = arith.constant 0 : i32
        %dma_wait3A_339 = tpu.memref_slice %arg6[%dma_wait3A_336, %dma_wait3A_337, %dma_wait3A_338] : memref<2x32x200xi32, #tpu.memory_space<vmem>> -> memref<1x32x200xi32, #tpu.memory_space<vmem>>
        %dma_wait3A_340 = tpu.memref_squeeze %dma_wait3A_339 : memref<1x32x200xi32, #tpu.memory_space<vmem>> -> memref<32x200xi32, #tpu.memory_space<vmem>>
        %dma_wait3A_341 = arith.constant 0 : i32
        %dma_wait3A_342 = tpu.memref_slice %arg2[%mul3A_2, %dma_wait3A_341] : memref<4096x200xi32, #tpu.memory_space<hbm>> -> memref<32x200xi32, #tpu.memory_space<hbm>>
        %dma_wait3A_343 = arith.constant 0 : i32
        %dma_wait3A_344 = arith.constant 0 : i32
        %dma_wait3A_345 = tpu.memref_slice %arg6[%dma_wait3A_336, %dma_wait3A_343, %dma_wait3A_344] : memref<2x32x200xi32, #tpu.memory_space<vmem>> -> memref<1x32x200xi32, #tpu.memory_space<vmem>>
        %dma_wait3A_346 = tpu.memref_squeeze %dma_wait3A_345 : memref<1x32x200xi32, #tpu.memory_space<vmem>> -> memref<32x200xi32, #tpu.memory_space<vmem>>
        %dma_wait3A_347 = arith.constant 0 : i32
        %dma_wait3A_348 = tpu.memref_slice %arg2[%mul3A_2, %dma_wait3A_347] : memref<4096x200xi32, #tpu.memory_space<hbm>> -> memref<32x200xi32, #tpu.memory_space<hbm>>
        tpu.wait_dma2 semaphore(%arg14 : memref<!tpu.dma_semaphore, #tpu.memory_space<semaphore_mem>>) src(%dma_wait3A_348 : memref<32x200xi32, #tpu.memory_space<hbm>>) dst(%dma_wait3A_346 : memref<32x200xi32, #tpu.memory_space<vmem>>)
      } else {
      }
      %add3A_207 = arith.constant 2 : i32
      %add3A_208 = arith.addi %mul3A_105, %add3A_207 : i32
      %lt3A_209 = arith.constant 128 : i32
      %lt3A_210 = arith.cmpi slt, %add3A_208, %lt3A_209 : i32
      %convert_element_type3A_211 = arith.extui %lt3A_210 : i1 to i32
      %cond3A_212 = arith.constant 0 : i32
      %cond3A_213 = arith.cmpi ne, %convert_element_type3A_211, %cond3A_212 : i32
      scf.if %cond3A_213 {
        %add3A_336 = arith.constant 2 : i32
        %add3A_337 = arith.addi %mul3A_105, %add3A_336 : i32
        %jit3A_338 = arith.constant 32 : i32
        %div3A = arith.divsi %add3A_337, %jit3A_338 : i32
        %sign3A = arith.constant 0 : i32
        %sign3A_339 = arith.cmpi sgt, %add3A_337, %sign3A : i32
        %sign3A_340 = arith.extui %sign3A_339 : i1 to i32
        %sign3A_341 = arith.constant 0 : i32
        %sign3A_342 = arith.cmpi slt, %add3A_337, %sign3A_341 : i32
        %sign3A_343 = arith.extui %sign3A_342 : i1 to i32
        %sign3A_344 = arith.subi %sign3A_340, %sign3A_343 : i32
        %sign3A_345 = arith.constant 0 : i32
        %sign3A_346 = arith.cmpi sgt, %jit3A_338, %sign3A_345 : i32
        %sign3A_347 = arith.extui %sign3A_346 : i1 to i32
        %sign3A_348 = arith.constant 0 : i32
        %sign3A_349 = arith.cmpi slt, %jit3A_338, %sign3A_348 : i32
        %sign3A_350 = arith.extui %sign3A_349 : i1 to i32
        %sign3A_351 = arith.subi %sign3A_347, %sign3A_350 : i32
        %ne3A_352 = arith.cmpi ne, %sign3A_344, %sign3A_351 : i32
        %rem3A_353 = arith.remsi %add3A_337, %jit3A_338 : i32
        %ne3A_354 = arith.constant 0 : i32
        %ne3A_355 = arith.cmpi ne, %rem3A_353, %ne3A_354 : i32
        %and3A_356 = arith.andi %ne3A_352, %ne3A_355 : i1
        %sub3A = arith.constant 1 : i32
        %sub3A_357 = arith.subi %div3A, %sub3A : i32
        %select_n3A_358 = arith.select %and3A_356, %sub3A_357, %div3A : i32
        %and3A_359 = arith.constant 1 : i32
        %and3A_360 = arith.andi %select_n3A_358, %and3A_359 : i32
        %jit3A_361 = arith.constant 32 : i32
        %eq3A_362 = arith.constant 0 : i32
        %eq3A_363 = arith.cmpi eq, %jit3A_361, %eq3A_362 : i32
        %jit3A_364 = arith.constant 1 : i32
        %select_n3A_365 = arith.select %eq3A_363, %jit3A_364, %jit3A_361 : i32
        %rem3A_366 = arith.remsi %add3A_337, %select_n3A_365 : i32
        %ne3A_367 = arith.constant 0 : i32
        %ne3A_368 = arith.cmpi ne, %rem3A_366, %ne3A_367 : i32
        %lt3A_369 = arith.constant 0 : i32
        %lt3A_370 = arith.cmpi slt, %rem3A_366, %lt3A_369 : i32
        %lt3A_371 = arith.constant 0 : i32
        %lt3A_372 = arith.cmpi slt, %select_n3A_365, %lt3A_371 : i32
        %ne3A_373 = arith.xori %lt3A_370, %lt3A_372 : i1
        %and3A_374 = arith.andi %ne3A_373, %ne3A_368 : i1
        %add3A_375 = arith.addi %rem3A_366, %select_n3A_365 : i32
        %select_n3A_376 = arith.select %and3A_374, %add3A_375, %rem3A_366 : i32
        %dma_start3A_377 = arith.constant 0 : i32
        %dma_start3A_378 = arith.constant 0 : i32
        %dma_start3A_379 = arith.constant 0 : i32
        %dma_start3A_380 = tpu.memref_slice %arg8[%dma_start3A_377, %dma_start3A_378, %dma_start3A_379] : memref<2x200x64xf32, #tpu.memory_space<vmem>> -> memref<1x128x64xf32, #tpu.memory_space<vmem>>
        %dma_start3A_381 = tpu.memref_squeeze %dma_start3A_380 : memref<1x128x64xf32, #tpu.memory_space<vmem>> -> memref<128x64xf32, #tpu.memory_space<vmem>>
        %dma_start3A_382 = arith.constant 0 : i32
        %dma_start3A_383 = tpu.memref_slice %arg6[%and3A_360, %select_n3A_376, %dma_start3A_382] : memref<2x32x200xi32, #tpu.memory_space<vmem>> -> memref<1x1x128xi32, #tpu.memory_space<vmem>>
        %dma_start3A_384 = tpu.memref_squeeze %dma_start3A_383 : memref<1x1x128xi32, #tpu.memory_space<vmem>> -> memref<128xi32, #tpu.memory_space<vmem>>
        %dma_start3A_385 = arith.constant 0 : i32
        %dma_start3A_386 = arith.constant 0 : i32
        %dma_start3A_387 = tpu.memref_slice %arg3[%dma_start3A_385, %dma_start3A_386] : memref<1000000x64xf32, #tpu.memory_space<hbm>> -> memref<1000000x64xf32, #tpu.memory_space<hbm>>
        tpu.enqueue_indirect_dma source(%dma_start3A_387 : memref<1000000x64xf32, #tpu.memory_space<hbm>>) target(%dma_start3A_381 : memref<128x64xf32, #tpu.memory_space<vmem>>) offsets(%dma_start3A_384 : memref<128xi32, #tpu.memory_space<vmem>>) semaphore(%arg10 : memref<!tpu.dma_semaphore, #tpu.memory_space<semaphore_mem>>)
        %dma_start3A_388 = arith.constant 0 : i32
        %dma_start3A_389 = arith.constant 128 : i32
        %dma_start3A_390 = arith.constant 0 : i32
        %dma_start3A_391 = tpu.memref_slice %arg8[%dma_start3A_388, %dma_start3A_389, %dma_start3A_390] : memref<2x200x64xf32, #tpu.memory_space<vmem>> -> memref<1x72x64xf32, #tpu.memory_space<vmem>>
        %dma_start3A_392 = tpu.memref_squeeze %dma_start3A_391 : memref<1x72x64xf32, #tpu.memory_space<vmem>> -> memref<72x64xf32, #tpu.memory_space<vmem>>
        %dma_start3A_393 = arith.constant 128 : i32
        %dma_start3A_394 = tpu.memref_slice %arg6[%and3A_360, %select_n3A_376, %dma_start3A_393] : memref<2x32x200xi32, #tpu.memory_space<vmem>> -> memref<1x1x72xi32, #tpu.memory_space<vmem>>
        %dma_start3A_395 = tpu.memref_squeeze %dma_start3A_394 : memref<1x1x72xi32, #tpu.memory_space<vmem>> -> memref<72xi32, #tpu.memory_space<vmem>>
        %dma_start3A_396 = arith.constant 0 : i32
        %dma_start3A_397 = arith.constant 0 : i32
        %dma_start3A_398 = tpu.memref_slice %arg3[%dma_start3A_396, %dma_start3A_397] : memref<1000000x64xf32, #tpu.memory_space<hbm>> -> memref<1000000x64xf32, #tpu.memory_space<hbm>>
        tpu.enqueue_indirect_dma source(%dma_start3A_398 : memref<1000000x64xf32, #tpu.memory_space<hbm>>) target(%dma_start3A_392 : memref<72x64xf32, #tpu.memory_space<vmem>>) offsets(%dma_start3A_395 : memref<72xi32, #tpu.memory_space<vmem>>) semaphore(%arg10 : memref<!tpu.dma_semaphore, #tpu.memory_space<semaphore_mem>>)
      } else {
      }
      %mul3A_214 = arith.constant 2 : i32
      %mul3A_215 = arith.muli %mul3A_214, %scan3A_103 : i32
      %add3A_216 = arith.constant 1 : i32
      %add3A_217 = arith.addi %mul3A_215, %add3A_216 : i32
      %dma_wait3A_218 = arith.constant 0 : i32
      %dma_wait3A_219 = arith.constant 0 : i32
      %dma_wait3A_220 = arith.constant 1 : i32
      %dma_wait3A_221 = arith.constant 0 : i32
      %dma_wait3A_222 = arith.constant 0 : i32
      %dma_wait3A_223 = tpu.memref_slice %arg8[%dma_wait3A_220, %dma_wait3A_221, %dma_wait3A_222] : memref<2x200x64xf32, #tpu.memory_space<vmem>> -> memref<1x128x64xf32, #tpu.memory_space<vmem>>
      %dma_wait3A_224 = tpu.memref_squeeze %dma_wait3A_223 : memref<1x128x64xf32, #tpu.memory_space<vmem>> -> memref<128x64xf32, #tpu.memory_space<vmem>>
      %dma_wait3A_225 = arith.constant 0 : i32
      %dma_wait3A_226 = tpu.memref_slice %arg6[%dma_wait3A_218, %dma_wait3A_219, %dma_wait3A_225] : memref<2x32x200xi32, #tpu.memory_space<vmem>> -> memref<1x1x128xi32, #tpu.memory_space<vmem>>
      %dma_wait3A_227 = tpu.memref_squeeze %dma_wait3A_226 : memref<1x1x128xi32, #tpu.memory_space<vmem>> -> memref<128xi32, #tpu.memory_space<vmem>>
      %dma_wait3A_228 = arith.constant 0 : i32
      %dma_wait3A_229 = arith.constant 0 : i32
      %dma_wait3A_230 = tpu.memref_slice %arg3[%dma_wait3A_228, %dma_wait3A_229] : memref<1000000x64xf32, #tpu.memory_space<hbm>> -> memref<1000000x64xf32, #tpu.memory_space<hbm>>
      tpu.wait_indirect_dma semaphore(%arg11 : memref<!tpu.dma_semaphore, #tpu.memory_space<semaphore_mem>>) src(%dma_wait3A_230 : memref<1000000x64xf32, #tpu.memory_space<hbm>>) dst(%dma_wait3A_224 : memref<128x64xf32, #tpu.memory_space<vmem>>)
      %dma_wait3A_231 = arith.constant 0 : i32
      %dma_wait3A_232 = arith.constant 0 : i32
      %dma_wait3A_233 = arith.constant 1 : i32
      %dma_wait3A_234 = arith.constant 128 : i32
      %dma_wait3A_235 = arith.constant 0 : i32
      %dma_wait3A_236 = tpu.memref_slice %arg8[%dma_wait3A_233, %dma_wait3A_234, %dma_wait3A_235] : memref<2x200x64xf32, #tpu.memory_space<vmem>> -> memref<1x72x64xf32, #tpu.memory_space<vmem>>
      %dma_wait3A_237 = tpu.memref_squeeze %dma_wait3A_236 : memref<1x72x64xf32, #tpu.memory_space<vmem>> -> memref<72x64xf32, #tpu.memory_space<vmem>>
      %dma_wait3A_238 = arith.constant 128 : i32
      %dma_wait3A_239 = tpu.memref_slice %arg6[%dma_wait3A_231, %dma_wait3A_232, %dma_wait3A_238] : memref<2x32x200xi32, #tpu.memory_space<vmem>> -> memref<1x1x72xi32, #tpu.memory_space<vmem>>
      %dma_wait3A_240 = tpu.memref_squeeze %dma_wait3A_239 : memref<1x1x72xi32, #tpu.memory_space<vmem>> -> memref<72xi32, #tpu.memory_space<vmem>>
      %dma_wait3A_241 = arith.constant 0 : i32
      %dma_wait3A_242 = arith.constant 0 : i32
      %dma_wait3A_243 = tpu.memref_slice %arg3[%dma_wait3A_241, %dma_wait3A_242] : memref<1000000x64xf32, #tpu.memory_space<hbm>> -> memref<1000000x64xf32, #tpu.memory_space<hbm>>
      tpu.wait_indirect_dma semaphore(%arg11 : memref<!tpu.dma_semaphore, #tpu.memory_space<semaphore_mem>>) src(%dma_wait3A_243 : memref<1000000x64xf32, #tpu.memory_space<hbm>>) dst(%dma_wait3A_237 : memref<72x64xf32, #tpu.memory_space<vmem>>)
      %ge3A_244 = arith.constant 2 : i32
      %ge3A_245 = arith.cmpi sge, %add3A_217, %ge3A_244 : i32
      %convert_element_type3A_246 = arith.extui %ge3A_245 : i1 to i32
      %cond3A_247 = arith.constant 0 : i32
      %cond3A_248 = arith.cmpi ne, %convert_element_type3A_246, %cond3A_247 : i32
      scf.if %cond3A_248 {
        %mul3A_336 = arith.constant 100 : i32
        %mul3A_337 = arith.muli %mul3A_2, %mul3A_336 : i32
        %dma_wait3A_338 = arith.constant 1 : i32
        %dma_wait3A_339 = arith.constant 0 : i32
        %dma_wait3A_340 = arith.constant 0 : i32
        %dma_wait3A_341 = tpu.memref_slice %arg9[%dma_wait3A_338, %dma_wait3A_339, %dma_wait3A_340] : memref<2x100x128xf32, #tpu.memory_space<vmem>> -> memref<1x100x128xf32, #tpu.memory_space<vmem>>
        %dma_wait3A_342 = tpu.memref_squeeze %dma_wait3A_341 : memref<1x100x128xf32, #tpu.memory_space<vmem>> -> memref<100x128xf32, #tpu.memory_space<vmem>>
        %dma_wait3A_343 = arith.constant 0 : i32
        %dma_wait3A_344 = tpu.memref_slice %arg5[%mul3A_337, %dma_wait3A_343] : memref<409600x128xf32, #tpu.memory_space<hbm>> -> memref<100x128xf32, #tpu.memory_space<hbm>>
        %dma_wait3A_345 = arith.constant 0 : i32
        %dma_wait3A_346 = tpu.memref_slice %arg5[%mul3A_337, %dma_wait3A_345] : memref<409600x128xf32, #tpu.memory_space<hbm>> -> memref<100x128xf32, #tpu.memory_space<hbm>>
        %dma_wait3A_347 = arith.constant 0 : i32
        %dma_wait3A_348 = arith.constant 0 : i32
        %dma_wait3A_349 = tpu.memref_slice %arg9[%dma_wait3A_338, %dma_wait3A_347, %dma_wait3A_348] : memref<2x100x128xf32, #tpu.memory_space<vmem>> -> memref<1x100x128xf32, #tpu.memory_space<vmem>>
        %dma_wait3A_350 = tpu.memref_squeeze %dma_wait3A_349 : memref<1x100x128xf32, #tpu.memory_space<vmem>> -> memref<100x128xf32, #tpu.memory_space<vmem>>
        tpu.wait_dma2 semaphore(%arg13 : memref<!tpu.dma_semaphore, #tpu.memory_space<semaphore_mem>>) src(%dma_wait3A_350 : memref<100x128xf32, #tpu.memory_space<vmem>>) dst(%dma_wait3A_346 : memref<100x128xf32, #tpu.memory_space<hbm>>)
      } else {
      }
      %scan3A_249 = arith.constant 0 : i32
      %scan3A_250 = arith.constant 0 : i32
      %scan3A_251 = arith.constant 100 : i32
      %scan3A_252 = arith.addi %scan3A_250, %scan3A_251 : i32
      %scan3A_253 = arith.constant 1 : i32
      scf.for %scan3A_336 = %scan3A_250 to %scan3A_252 step %scan3A_253  : i32 {
        %mul3A_337 = arith.constant 2 : i32
        %mul3A_338 = arith.muli %mul3A_337, %scan3A_336 : i32
        %add3A_339 = arith.constant 0 : i32
        %add3A_340 = arith.addi %mul3A_338, %add3A_339 : i32
        %get3A = arith.constant 1 : i32
        %get3A_341 = arith.index_cast %get3A : i32 to index
        %get3A_342 = arith.index_cast %add3A_340 : i32 to index
        %get3A_343 = arith.constant 0 : index
        %get3A_344 = tpu.vector_load %arg8[%get3A_341, %get3A_342, %get3A_343] {strides = array<i32>} : memref<2x200x64xf32, #tpu.memory_space<vmem>>, vector<1x1x16xf32>,
        %get3A_345 = vector.shape_cast %get3A_344 : vector<1x1x16xf32> to vector<16xf32>
        %mul3A_346 = arith.constant 8.000000e+00 : f32
        %mul3A_347 = vector.broadcast %mul3A_346 : f32 to vector<16xf32>
        %mul3A_348 = arith.mulf %get3A_345, %mul3A_347 : vector<16xf32>
        %get3A_349 = arith.index_cast %add3A_340 : i32 to index
        %get3A_350 = arith.constant 0 : index
        %get3A_351 = tpu.vector_load %arg7[%get3A_349, %get3A_350] {strides = array<i32>} : memref<200x64xf32, #tpu.memory_space<vmem>>, vector<1x16xf32>,
        %get3A_352 = vector.shape_cast %get3A_351 : vector<1x16xf32> to vector<16xf32>
        %add3A_353 = arith.addf %mul3A_348, %get3A_352 : vector<16xf32>
        %swap3A = arith.constant 1 : i32
        %swap3A_354 = arith.index_cast %swap3A : i32 to index
        %swap3A_355 = arith.index_cast %scan3A_336 : i32 to index
        %swap3A_356 = arith.constant 0 : index
        %swap3A_357 = tpu.vector_load %arg9[%swap3A_354, %swap3A_355, %swap3A_356] {strides = array<i32>} : memref<2x100x128xf32, #tpu.memory_space<vmem>>, vector<1x1x16xf32>,
        %swap3A_358 = vector.shape_cast %swap3A_357 : vector<1x1x16xf32> to vector<16xf32>
        %swap3A_359 = vector.shape_cast %add3A_353 : vector<16xf32> to vector<1x1x16xf32>
        tpu.vector_store %arg9[%swap3A_354, %swap3A_355, %swap3A_356], %swap3A_359 {strides = array<i32>} : memref<2x100x128xf32, #tpu.memory_space<vmem>>, vector<1x1x16xf32>,
        %get3A_360 = arith.constant 1 : i32
        %get3A_361 = arith.index_cast %get3A_360 : i32 to index
        %get3A_362 = arith.index_cast %add3A_340 : i32 to index
        %get3A_363 = arith.constant 16 : index
        %get3A_364 = tpu.vector_load %arg8[%get3A_361, %get3A_362, %get3A_363] {strides = array<i32>} : memref<2x200x64xf32, #tpu.memory_space<vmem>>, vector<1x1x16xf32>,
        %get3A_365 = vector.shape_cast %get3A_364 : vector<1x1x16xf32> to vector<16xf32>
        %mul3A_366 = arith.constant 8.000000e+00 : f32
        %mul3A_367 = vector.broadcast %mul3A_366 : f32 to vector<16xf32>
        %mul3A_368 = arith.mulf %get3A_365, %mul3A_367 : vector<16xf32>
        %get3A_369 = arith.index_cast %add3A_340 : i32 to index
        %get3A_370 = arith.constant 16 : index
        %get3A_371 = tpu.vector_load %arg7[%get3A_369, %get3A_370] {strides = array<i32>} : memref<200x64xf32, #tpu.memory_space<vmem>>, vector<1x16xf32>,
        %get3A_372 = vector.shape_cast %get3A_371 : vector<1x16xf32> to vector<16xf32>
        %add3A_373 = arith.addf %mul3A_368, %get3A_372 : vector<16xf32>
        %swap3A_374 = arith.constant 1 : i32
        %swap3A_375 = arith.index_cast %swap3A_374 : i32 to index
        %swap3A_376 = arith.index_cast %scan3A_336 : i32 to index
        %swap3A_377 = arith.constant 16 : index
        %swap3A_378 = tpu.vector_load %arg9[%swap3A_375, %swap3A_376, %swap3A_377] {strides = array<i32>} : memref<2x100x128xf32, #tpu.memory_space<vmem>>, vector<1x1x16xf32>,
        %swap3A_379 = vector.shape_cast %swap3A_378 : vector<1x1x16xf32> to vector<16xf32>
        %swap3A_380 = vector.shape_cast %add3A_373 : vector<16xf32> to vector<1x1x16xf32>
        tpu.vector_store %arg9[%swap3A_375, %swap3A_376, %swap3A_377], %swap3A_380 {strides = array<i32>} : memref<2x100x128xf32, #tpu.memory_space<vmem>>, vector<1x1x16xf32>,
        %get3A_381 = arith.constant 1 : i32
        %get3A_382 = arith.index_cast %get3A_381 : i32 to index
        %get3A_383 = arith.index_cast %add3A_340 : i32 to index
        %get3A_384 = arith.constant 32 : index
        %get3A_385 = tpu.vector_load %arg8[%get3A_382, %get3A_383, %get3A_384] {strides = array<i32>} : memref<2x200x64xf32, #tpu.memory_space<vmem>>, vector<1x1x16xf32>,
        %get3A_386 = vector.shape_cast %get3A_385 : vector<1x1x16xf32> to vector<16xf32>
        %mul3A_387 = arith.constant 8.000000e+00 : f32
        %mul3A_388 = vector.broadcast %mul3A_387 : f32 to vector<16xf32>
        %mul3A_389 = arith.mulf %get3A_386, %mul3A_388 : vector<16xf32>
        %get3A_390 = arith.index_cast %add3A_340 : i32 to index
        %get3A_391 = arith.constant 32 : index
        %get3A_392 = tpu.vector_load %arg7[%get3A_390, %get3A_391] {strides = array<i32>} : memref<200x64xf32, #tpu.memory_space<vmem>>, vector<1x16xf32>,
        %get3A_393 = vector.shape_cast %get3A_392 : vector<1x16xf32> to vector<16xf32>
        %add3A_394 = arith.addf %mul3A_389, %get3A_393 : vector<16xf32>
        %swap3A_395 = arith.constant 1 : i32
        %swap3A_396 = arith.index_cast %swap3A_395 : i32 to index
        %swap3A_397 = arith.index_cast %scan3A_336 : i32 to index
        %swap3A_398 = arith.constant 32 : index
        %swap3A_399 = tpu.vector_load %arg9[%swap3A_396, %swap3A_397, %swap3A_398] {strides = array<i32>} : memref<2x100x128xf32, #tpu.memory_space<vmem>>, vector<1x1x16xf32>,
        %swap3A_400 = vector.shape_cast %swap3A_399 : vector<1x1x16xf32> to vector<16xf32>
        %swap3A_401 = vector.shape_cast %add3A_394 : vector<16xf32> to vector<1x1x16xf32>
        tpu.vector_store %arg9[%swap3A_396, %swap3A_397, %swap3A_398], %swap3A_401 {strides = array<i32>} : memref<2x100x128xf32, #tpu.memory_space<vmem>>, vector<1x1x16xf32>,
        %get3A_402 = arith.constant 1 : i32
        %get3A_403 = arith.index_cast %get3A_402 : i32 to index
        %get3A_404 = arith.index_cast %add3A_340 : i32 to index
        %get3A_405 = arith.constant 48 : index
        %get3A_406 = tpu.vector_load %arg8[%get3A_403, %get3A_404, %get3A_405] {strides = array<i32>} : memref<2x200x64xf32, #tpu.memory_space<vmem>>, vector<1x1x16xf32>,
        %get3A_407 = vector.shape_cast %get3A_406 : vector<1x1x16xf32> to vector<16xf32>
        %mul3A_408 = arith.constant 8.000000e+00 : f32
        %mul3A_409 = vector.broadcast %mul3A_408 : f32 to vector<16xf32>
        %mul3A_410 = arith.mulf %get3A_407, %mul3A_409 : vector<16xf32>
        %get3A_411 = arith.index_cast %add3A_340 : i32 to index
        %get3A_412 = arith.constant 48 : index
        %get3A_413 = tpu.vector_load %arg7[%get3A_411, %get3A_412] {strides = array<i32>} : memref<200x64xf32, #tpu.memory_space<vmem>>, vector<1x16xf32>,
        %get3A_414 = vector.shape_cast %get3A_413 : vector<1x16xf32> to vector<16xf32>
        %add3A_415 = arith.addf %mul3A_410, %get3A_414 : vector<16xf32>
        %swap3A_416 = arith.constant 1 : i32
        %swap3A_417 = arith.index_cast %swap3A_416 : i32 to index
        %swap3A_418 = arith.index_cast %scan3A_336 : i32 to index
        %swap3A_419 = arith.constant 48 : index
        %swap3A_420 = tpu.vector_load %arg9[%swap3A_417, %swap3A_418, %swap3A_419] {strides = array<i32>} : memref<2x100x128xf32, #tpu.memory_space<vmem>>, vector<1x1x16xf32>,
        %swap3A_421 = vector.shape_cast %swap3A_420 : vector<1x1x16xf32> to vector<16xf32>
        %swap3A_422 = vector.shape_cast %add3A_415 : vector<16xf32> to vector<1x1x16xf32>
        tpu.vector_store %arg9[%swap3A_417, %swap3A_418, %swap3A_419], %swap3A_422 {strides = array<i32>} : memref<2x100x128xf32, #tpu.memory_space<vmem>>, vector<1x1x16xf32>,
        %mul3A_423 = arith.constant 2 : i32
        %mul3A_424 = arith.muli %mul3A_423, %scan3A_336 : i32
        %add3A_425 = arith.constant 1 : i32
        %add3A_426 = arith.addi %mul3A_424, %add3A_425 : i32
        %get3A_427 = arith.constant 1 : i32
        %get3A_428 = arith.index_cast %get3A_427 : i32 to index
        %get3A_429 = arith.index_cast %add3A_426 : i32 to index
        %get3A_430 = arith.constant 0 : index
        %get3A_431 = tpu.vector_load %arg8[%get3A_428, %get3A_429, %get3A_430] {strides = array<i32>} : memref<2x200x64xf32, #tpu.memory_space<vmem>>, vector<1x1x16xf32>,
        %get3A_432 = vector.shape_cast %get3A_431 : vector<1x1x16xf32> to vector<16xf32>
        %mul3A_433 = arith.constant 8.000000e+00 : f32
        %mul3A_434 = vector.broadcast %mul3A_433 : f32 to vector<16xf32>
        %mul3A_435 = arith.mulf %get3A_432, %mul3A_434 : vector<16xf32>
        %get3A_436 = arith.index_cast %add3A_426 : i32 to index
        %get3A_437 = arith.constant 0 : index
        %get3A_438 = tpu.vector_load %arg7[%get3A_436, %get3A_437] {strides = array<i32>} : memref<200x64xf32, #tpu.memory_space<vmem>>, vector<1x16xf32>,
        %get3A_439 = vector.shape_cast %get3A_438 : vector<1x16xf32> to vector<16xf32>
        %add3A_440 = arith.addf %mul3A_435, %get3A_439 : vector<16xf32>
        %swap3A_441 = arith.constant 1 : i32
        %swap3A_442 = arith.index_cast %swap3A_441 : i32 to index
        %swap3A_443 = arith.index_cast %scan3A_336 : i32 to index
        %swap3A_444 = arith.constant 64 : index
        %swap3A_445 = tpu.vector_load %arg9[%swap3A_442, %swap3A_443, %swap3A_444] {strides = array<i32>} : memref<2x100x128xf32, #tpu.memory_space<vmem>>, vector<1x1x16xf32>,
        %swap3A_446 = vector.shape_cast %swap3A_445 : vector<1x1x16xf32> to vector<16xf32>
        %swap3A_447 = vector.shape_cast %add3A_440 : vector<16xf32> to vector<1x1x16xf32>
        tpu.vector_store %arg9[%swap3A_442, %swap3A_443, %swap3A_444], %swap3A_447 {strides = array<i32>} : memref<2x100x128xf32, #tpu.memory_space<vmem>>, vector<1x1x16xf32>,
        %get3A_448 = arith.constant 1 : i32
        %get3A_449 = arith.index_cast %get3A_448 : i32 to index
        %get3A_450 = arith.index_cast %add3A_426 : i32 to index
        %get3A_451 = arith.constant 16 : index
        %get3A_452 = tpu.vector_load %arg8[%get3A_449, %get3A_450, %get3A_451] {strides = array<i32>} : memref<2x200x64xf32, #tpu.memory_space<vmem>>, vector<1x1x16xf32>,
        %get3A_453 = vector.shape_cast %get3A_452 : vector<1x1x16xf32> to vector<16xf32>
        %mul3A_454 = arith.constant 8.000000e+00 : f32
        %mul3A_455 = vector.broadcast %mul3A_454 : f32 to vector<16xf32>
        %mul3A_456 = arith.mulf %get3A_453, %mul3A_455 : vector<16xf32>
        %get3A_457 = arith.index_cast %add3A_426 : i32 to index
        %get3A_458 = arith.constant 16 : index
        %get3A_459 = tpu.vector_load %arg7[%get3A_457, %get3A_458] {strides = array<i32>} : memref<200x64xf32, #tpu.memory_space<vmem>>, vector<1x16xf32>,
        %get3A_460 = vector.shape_cast %get3A_459 : vector<1x16xf32> to vector<16xf32>
        %add3A_461 = arith.addf %mul3A_456, %get3A_460 : vector<16xf32>
        %swap3A_462 = arith.constant 1 : i32
        %swap3A_463 = arith.index_cast %swap3A_462 : i32 to index
        %swap3A_464 = arith.index_cast %scan3A_336 : i32 to index
        %swap3A_465 = arith.constant 80 : index
        %swap3A_466 = tpu.vector_load %arg9[%swap3A_463, %swap3A_464, %swap3A_465] {strides = array<i32>} : memref<2x100x128xf32, #tpu.memory_space<vmem>>, vector<1x1x16xf32>,
        %swap3A_467 = vector.shape_cast %swap3A_466 : vector<1x1x16xf32> to vector<16xf32>
        %swap3A_468 = vector.shape_cast %add3A_461 : vector<16xf32> to vector<1x1x16xf32>
        tpu.vector_store %arg9[%swap3A_463, %swap3A_464, %swap3A_465], %swap3A_468 {strides = array<i32>} : memref<2x100x128xf32, #tpu.memory_space<vmem>>, vector<1x1x16xf32>,
        %get3A_469 = arith.constant 1 : i32
        %get3A_470 = arith.index_cast %get3A_469 : i32 to index
        %get3A_471 = arith.index_cast %add3A_426 : i32 to index
        %get3A_472 = arith.constant 32 : index
        %get3A_473 = tpu.vector_load %arg8[%get3A_470, %get3A_471, %get3A_472] {strides = array<i32>} : memref<2x200x64xf32, #tpu.memory_space<vmem>>, vector<1x1x16xf32>,
        %get3A_474 = vector.shape_cast %get3A_473 : vector<1x1x16xf32> to vector<16xf32>
        %mul3A_475 = arith.constant 8.000000e+00 : f32
        %mul3A_476 = vector.broadcast %mul3A_475 : f32 to vector<16xf32>
        %mul3A_477 = arith.mulf %get3A_474, %mul3A_476 : vector<16xf32>
        %get3A_478 = arith.index_cast %add3A_426 : i32 to index
        %get3A_479 = arith.constant 32 : index
        %get3A_480 = tpu.vector_load %arg7[%get3A_478, %get3A_479] {strides = array<i32>} : memref<200x64xf32, #tpu.memory_space<vmem>>, vector<1x16xf32>,
        %get3A_481 = vector.shape_cast %get3A_480 : vector<1x16xf32> to vector<16xf32>
        %add3A_482 = arith.addf %mul3A_477, %get3A_481 : vector<16xf32>
        %swap3A_483 = arith.constant 1 : i32
        %swap3A_484 = arith.index_cast %swap3A_483 : i32 to index
        %swap3A_485 = arith.index_cast %scan3A_336 : i32 to index
        %swap3A_486 = arith.constant 96 : index
        %swap3A_487 = tpu.vector_load %arg9[%swap3A_484, %swap3A_485, %swap3A_486] {strides = array<i32>} : memref<2x100x128xf32, #tpu.memory_space<vmem>>, vector<1x1x16xf32>,
        %swap3A_488 = vector.shape_cast %swap3A_487 : vector<1x1x16xf32> to vector<16xf32>
        %swap3A_489 = vector.shape_cast %add3A_482 : vector<16xf32> to vector<1x1x16xf32>
        tpu.vector_store %arg9[%swap3A_484, %swap3A_485, %swap3A_486], %swap3A_489 {strides = array<i32>} : memref<2x100x128xf32, #tpu.memory_space<vmem>>, vector<1x1x16xf32>,
        %get3A_490 = arith.constant 1 : i32
        %get3A_491 = arith.index_cast %get3A_490 : i32 to index
        %get3A_492 = arith.index_cast %add3A_426 : i32 to index
        %get3A_493 = arith.constant 48 : index
        %get3A_494 = tpu.vector_load %arg8[%get3A_491, %get3A_492, %get3A_493] {strides = array<i32>} : memref<2x200x64xf32, #tpu.memory_space<vmem>>, vector<1x1x16xf32>,
        %get3A_495 = vector.shape_cast %get3A_494 : vector<1x1x16xf32> to vector<16xf32>
        %mul3A_496 = arith.constant 8.000000e+00 : f32
        %mul3A_497 = vector.broadcast %mul3A_496 : f32 to vector<16xf32>
        %mul3A_498 = arith.mulf %get3A_495, %mul3A_497 : vector<16xf32>
        %get3A_499 = arith.index_cast %add3A_426 : i32 to index
        %get3A_500 = arith.constant 48 : index
        %get3A_501 = tpu.vector_load %arg7[%get3A_499, %get3A_500] {strides = array<i32>} : memref<200x64xf32, #tpu.memory_space<vmem>>, vector<1x16xf32>,
        %get3A_502 = vector.shape_cast %get3A_501 : vector<1x16xf32> to vector<16xf32>
        %add3A_503 = arith.addf %mul3A_498, %get3A_502 : vector<16xf32>
        %swap3A_504 = arith.constant 1 : i32
        %swap3A_505 = arith.index_cast %swap3A_504 : i32 to index
        %swap3A_506 = arith.index_cast %scan3A_336 : i32 to index
        %swap3A_507 = arith.constant 112 : index
        %swap3A_508 = tpu.vector_load %arg9[%swap3A_505, %swap3A_506, %swap3A_507] {strides = array<i32>} : memref<2x100x128xf32, #tpu.memory_space<vmem>>, vector<1x1x16xf32>,
        %swap3A_509 = vector.shape_cast %swap3A_508 : vector<1x1x16xf32> to vector<16xf32>
        %swap3A_510 = vector.shape_cast %add3A_503 : vector<16xf32> to vector<1x1x16xf32>
        tpu.vector_store %arg9[%swap3A_505, %swap3A_506, %swap3A_507], %swap3A_510 {strides = array<i32>} : memref<2x100x128xf32, #tpu.memory_space<vmem>>, vector<1x1x16xf32>,
      }
      %scan3A_254 = arith.constant 100 : i32
      %add3A_255 = arith.addi %mul3A_2, %add3A_217 : i32
      %mul3A_256 = arith.constant 100 : i32
      %mul3A_257 = arith.muli %add3A_255, %mul3A_256 : i32
      %dma_start3A_258 = arith.constant 1 : i32
      %dma_start3A_259 = arith.constant 0 : i32
      %dma_start3A_260 = arith.constant 0 : i32
      %dma_start3A_261 = tpu.memref_slice %arg9[%dma_start3A_258, %dma_start3A_259, %dma_start3A_260] : memref<2x100x128xf32, #tpu.memory_space<vmem>> -> memref<1x100x128xf32, #tpu.memory_space<vmem>>
      %dma_start3A_262 = tpu.memref_squeeze %dma_start3A_261 : memref<1x100x128xf32, #tpu.memory_space<vmem>> -> memref<100x128xf32, #tpu.memory_space<vmem>>
      %dma_start3A_263 = arith.constant 0 : i32
      %dma_start3A_264 = tpu.memref_slice %arg5[%mul3A_257, %dma_start3A_263] : memref<409600x128xf32, #tpu.memory_space<hbm>> -> memref<100x128xf32, #tpu.memory_space<hbm>>
      %dma_start3A_265 = arith.constant 0 : i32
      %dma_start3A_266 = tpu.memref_slice %arg5[%mul3A_257, %dma_start3A_265] : memref<409600x128xf32, #tpu.memory_space<hbm>> -> memref<100x128xf32, #tpu.memory_space<hbm>>
      %dma_start3A_267 = arith.constant 0 : i32
      %dma_start3A_268 = arith.constant 0 : i32
      %dma_start3A_269 = tpu.memref_slice %arg9[%dma_start3A_258, %dma_start3A_267, %dma_start3A_268] : memref<2x100x128xf32, #tpu.memory_space<vmem>> -> memref<1x100x128xf32, #tpu.memory_space<vmem>>
      %dma_start3A_270 = tpu.memref_squeeze %dma_start3A_269 : memref<1x100x128xf32, #tpu.memory_space<vmem>> -> memref<100x128xf32, #tpu.memory_space<vmem>>
      tpu.enqueue_dma source(%dma_start3A_270 : memref<100x128xf32, #tpu.memory_space<vmem>>) target(%dma_start3A_266 : memref<100x128xf32, #tpu.memory_space<hbm>>) target_semaphore(%arg13 : memref<!tpu.dma_semaphore, #tpu.memory_space<semaphore_mem>>)
      %add3A_271 = arith.constant 1 : i32
      %add3A_272 = arith.addi %add3A_217, %add3A_271 : i32
      %jit3A_273 = arith.constant 32 : i32
      %eq3A_274 = arith.constant 0 : i32
      %eq3A_275 = arith.cmpi eq, %jit3A_273, %eq3A_274 : i32
      %jit3A_276 = arith.constant 1 : i32
      %select_n3A_277 = arith.select %eq3A_275, %jit3A_276, %jit3A_273 : i32
      %rem3A_278 = arith.remsi %add3A_272, %select_n3A_277 : i32
      %ne3A_279 = arith.constant 0 : i32
      %ne3A_280 = arith.cmpi ne, %rem3A_278, %ne3A_279 : i32
      %lt3A_281 = arith.constant 0 : i32
      %lt3A_282 = arith.cmpi slt, %rem3A_278, %lt3A_281 : i32
      %lt3A_283 = arith.constant 0 : i32
      %lt3A_284 = arith.cmpi slt, %select_n3A_277, %lt3A_283 : i32
      %ne3A_285 = arith.xori %lt3A_282, %lt3A_284 : i1
      %and3A_286 = arith.andi %ne3A_285, %ne3A_280 : i1
      %add3A_287 = arith.addi %rem3A_278, %select_n3A_277 : i32
      %select_n3A_288 = arith.select %and3A_286, %add3A_287, %rem3A_278 : i32
      %eq3A_289 = arith.constant 0 : i32
      %eq3A_290 = arith.cmpi eq, %select_n3A_288, %eq3A_289 : i32
      %add3A_291 = arith.constant 1 : i32
      %add3A_292 = arith.addi %add3A_217, %add3A_291 : i32
      %add3A_293 = arith.constant 32 : i32
      %add3A_294 = arith.addi %add3A_292, %add3A_293 : i32
      %lt3A_295 = arith.constant 128 : i32
      %lt3A_296 = arith.cmpi slt, %add3A_294, %lt3A_295 : i32
      %and3A_297 = arith.andi %eq3A_290, %lt3A_296 : i1
      %convert_element_type3A_298 = arith.extui %and3A_297 : i1 to i32
      %cond3A_299 = arith.constant 0 : i32
      %cond3A_300 = arith.cmpi ne, %convert_element_type3A_298, %cond3A_299 : i32
      scf.if %cond3A_300 {
        %add3A_336 = arith.constant 1 : i32
        %add3A_337 = arith.addi %add3A_217, %add3A_336 : i32
        %jit3A_338 = arith.constant 32 : i32
        %div3A = arith.divsi %add3A_337, %jit3A_338 : i32
        %sign3A = arith.constant 0 : i32
        %sign3A_339 = arith.cmpi sgt, %add3A_337, %sign3A : i32
        %sign3A_340 = arith.extui %sign3A_339 : i1 to i32
        %sign3A_341 = arith.constant 0 : i32
        %sign3A_342 = arith.cmpi slt, %add3A_337, %sign3A_341 : i32
        %sign3A_343 = arith.extui %sign3A_342 : i1 to i32
        %sign3A_344 = arith.subi %sign3A_340, %sign3A_343 : i32
        %sign3A_345 = arith.constant 0 : i32
        %sign3A_346 = arith.cmpi sgt, %jit3A_338, %sign3A_345 : i32
        %sign3A_347 = arith.extui %sign3A_346 : i1 to i32
        %sign3A_348 = arith.constant 0 : i32
        %sign3A_349 = arith.cmpi slt, %jit3A_338, %sign3A_348 : i32
        %sign3A_350 = arith.extui %sign3A_349 : i1 to i32
        %sign3A_351 = arith.subi %sign3A_347, %sign3A_350 : i32
        %ne3A_352 = arith.cmpi ne, %sign3A_344, %sign3A_351 : i32
        %rem3A_353 = arith.remsi %add3A_337, %jit3A_338 : i32
        %ne3A_354 = arith.constant 0 : i32
        %ne3A_355 = arith.cmpi ne, %rem3A_353, %ne3A_354 : i32
        %and3A_356 = arith.andi %ne3A_352, %ne3A_355 : i1
        %sub3A = arith.constant 1 : i32
        %sub3A_357 = arith.subi %div3A, %sub3A : i32
        %select_n3A_358 = arith.select %and3A_356, %sub3A_357, %div3A : i32
        %add3A_359 = arith.constant 1 : i32
        %add3A_360 = arith.addi %select_n3A_358, %add3A_359 : i32
        %mul3A_361 = arith.constant 32 : i32
        %mul3A_362 = arith.muli %add3A_360, %mul3A_361 : i32
        %add3A_363 = arith.addi %mul3A_2, %mul3A_362 : i32
        %and3A_364 = arith.constant 1 : i32
        %and3A_365 = arith.andi %add3A_360, %and3A_364 : i32
        %dma_start3A_366 = arith.constant 0 : i32
        %dma_start3A_367 = arith.constant 0 : i32
        %dma_start3A_368 = tpu.memref_slice %arg6[%and3A_365, %dma_start3A_366, %dma_start3A_367] : memref<2x32x200xi32, #tpu.memory_space<vmem>> -> memref<1x32x200xi32, #tpu.memory_space<vmem>>
        %dma_start3A_369 = tpu.memref_squeeze %dma_start3A_368 : memref<1x32x200xi32, #tpu.memory_space<vmem>> -> memref<32x200xi32, #tpu.memory_space<vmem>>
        %dma_start3A_370 = arith.constant 0 : i32
        %dma_start3A_371 = tpu.memref_slice %arg2[%add3A_363, %dma_start3A_370] : memref<4096x200xi32, #tpu.memory_space<hbm>> -> memref<32x200xi32, #tpu.memory_space<hbm>>
        %dma_start3A_372 = arith.constant 0 : i32
        %dma_start3A_373 = arith.constant 0 : i32
        %dma_start3A_374 = tpu.memref_slice %arg6[%and3A_365, %dma_start3A_372, %dma_start3A_373] : memref<2x32x200xi32, #tpu.memory_space<vmem>> -> memref<1x32x200xi32, #tpu.memory_space<vmem>>
        %dma_start3A_375 = tpu.memref_squeeze %dma_start3A_374 : memref<1x32x200xi32, #tpu.memory_space<vmem>> -> memref<32x200xi32, #tpu.memory_space<vmem>>
        %dma_start3A_376 = arith.constant 0 : i32
        %dma_start3A_377 = tpu.memref_slice %arg2[%add3A_363, %dma_start3A_376] : memref<4096x200xi32, #tpu.memory_space<hbm>> -> memref<32x200xi32, #tpu.memory_space<hbm>>
        tpu.enqueue_dma source(%dma_start3A_377 : memref<32x200xi32, #tpu.memory_space<hbm>>) target(%dma_start3A_375 : memref<32x200xi32, #tpu.memory_space<vmem>>) target_semaphore(%arg14 : memref<!tpu.dma_semaphore, #tpu.memory_space<semaphore_mem>>)
      } else {
      }
      %add3A_301 = arith.constant 2 : i32
      %add3A_302 = arith.addi %add3A_217, %add3A_301 : i32
      %jit3A_303 = arith.constant 32 : i32
      %eq3A_304 = arith.constant 0 : i32
      %eq3A_305 = arith.cmpi eq, %jit3A_303, %eq3A_304 : i32
      %jit3A_306 = arith.constant 1 : i32
      %select_n3A_307 = arith.select %eq3A_305, %jit3A_306, %jit3A_303 : i32
      %rem3A_308 = arith.remsi %add3A_302, %select_n3A_307 : i32
      %ne3A_309 = arith.constant 0 : i32
      %ne3A_310 = arith.cmpi ne, %rem3A_308, %ne3A_309 : i32
      %lt3A_311 = arith.constant 0 : i32
      %lt3A_312 = arith.cmpi slt, %rem3A_308, %lt3A_311 : i32
      %lt3A_313 = arith.constant 0 : i32
      %lt3A_314 = arith.cmpi slt, %select_n3A_307, %lt3A_313 : i32
      %ne3A_315 = arith.xori %lt3A_312, %lt3A_314 : i1
      %and3A_316 = arith.andi %ne3A_315, %ne3A_310 : i1
      %add3A_317 = arith.addi %rem3A_308, %select_n3A_307 : i32
      %select_n3A_318 = arith.select %and3A_316, %add3A_317, %rem3A_308 : i32
      %eq3A_319 = arith.constant 0 : i32
      %eq3A_320 = arith.cmpi eq, %select_n3A_318, %eq3A_319 : i32
      %add3A_321 = arith.constant 2 : i32
      %add3A_322 = arith.addi %add3A_217, %add3A_321 : i32
      %lt3A_323 = arith.constant 128 : i32
      %lt3A_324 = arith.cmpi slt, %add3A_322, %lt3A_323 : i32
      %and3A_325 = arith.andi %eq3A_320, %lt3A_324 : i1
      %convert_element_type3A_326 = arith.extui %and3A_325 : i1 to i32
      %cond3A_327 = arith.constant 0 : i32
      %cond3A_328 = arith.cmpi ne, %convert_element_type3A_326, %cond3A_327 : i32
      scf.if %cond3A_328 {
        %dma_wait3A_336 = arith.constant 0 : i32
        %dma_wait3A_337 = arith.constant 0 : i32
        %dma_wait3A_338 = arith.constant 0 : i32
        %dma_wait3A_339 = tpu.memref_slice %arg6[%dma_wait3A_336, %dma_wait3A_337, %dma_wait3A_338] : memref<2x32x200xi32, #tpu.memory_space<vmem>> -> memref<1x32x200xi32, #tpu.memory_space<vmem>>
        %dma_wait3A_340 = tpu.memref_squeeze %dma_wait3A_339 : memref<1x32x200xi32, #tpu.memory_space<vmem>> -> memref<32x200xi32, #tpu.memory_space<vmem>>
        %dma_wait3A_341 = arith.constant 0 : i32
        %dma_wait3A_342 = tpu.memref_slice %arg2[%mul3A_2, %dma_wait3A_341] : memref<4096x200xi32, #tpu.memory_space<hbm>> -> memref<32x200xi32, #tpu.memory_space<hbm>>
        %dma_wait3A_343 = arith.constant 0 : i32
        %dma_wait3A_344 = arith.constant 0 : i32
        %dma_wait3A_345 = tpu.memref_slice %arg6[%dma_wait3A_336, %dma_wait3A_343, %dma_wait3A_344] : memref<2x32x200xi32, #tpu.memory_space<vmem>> -> memref<1x32x200xi32, #tpu.memory_space<vmem>>
        %dma_wait3A_346 = tpu.memref_squeeze %dma_wait3A_345 : memref<1x32x200xi32, #tpu.memory_space<vmem>> -> memref<32x200xi32, #tpu.memory_space<vmem>>
        %dma_wait3A_347 = arith.constant 0 : i32
        %dma_wait3A_348 = tpu.memref_slice %arg2[%mul3A_2, %dma_wait3A_347] : memref<4096x200xi32, #tpu.memory_space<hbm>> -> memref<32x200xi32, #tpu.memory_space<hbm>>
        tpu.wait_dma2 semaphore(%arg14 : memref<!tpu.dma_semaphore, #tpu.memory_space<semaphore_mem>>) src(%dma_wait3A_348 : memref<32x200xi32, #tpu.memory_space<hbm>>) dst(%dma_wait3A_346 : memref<32x200xi32, #tpu.memory_space<vmem>>)
      } else {
      }
      %add3A_329 = arith.constant 2 : i32
      %add3A_330 = arith.addi %add3A_217, %add3A_329 : i32
      %lt3A_331 = arith.constant 128 : i32
      %lt3A_332 = arith.cmpi slt, %add3A_330, %lt3A_331 : i32
      %convert_element_type3A_333 = arith.extui %lt3A_332 : i1 to i32
      %cond3A_334 = arith.constant 0 : i32
      %cond3A_335 = arith.cmpi ne, %convert_element_type3A_333, %cond3A_334 : i32
      scf.if %cond3A_335 {
        %add3A_336 = arith.constant 2 : i32
        %add3A_337 = arith.addi %add3A_217, %add3A_336 : i32
        %jit3A_338 = arith.constant 32 : i32
        %div3A = arith.divsi %add3A_337, %jit3A_338 : i32
        %sign3A = arith.constant 0 : i32
        %sign3A_339 = arith.cmpi sgt, %add3A_337, %sign3A : i32
        %sign3A_340 = arith.extui %sign3A_339 : i1 to i32
        %sign3A_341 = arith.constant 0 : i32
        %sign3A_342 = arith.cmpi slt, %add3A_337, %sign3A_341 : i32
        %sign3A_343 = arith.extui %sign3A_342 : i1 to i32
        %sign3A_344 = arith.subi %sign3A_340, %sign3A_343 : i32
        %sign3A_345 = arith.constant 0 : i32
        %sign3A_346 = arith.cmpi sgt, %jit3A_338, %sign3A_345 : i32
        %sign3A_347 = arith.extui %sign3A_346 : i1 to i32
        %sign3A_348 = arith.constant 0 : i32
        %sign3A_349 = arith.cmpi slt, %jit3A_338, %sign3A_348 : i32
        %sign3A_350 = arith.extui %sign3A_349 : i1 to i32
        %sign3A_351 = arith.subi %sign3A_347, %sign3A_350 : i32
        %ne3A_352 = arith.cmpi ne, %sign3A_344, %sign3A_351 : i32
        %rem3A_353 = arith.remsi %add3A_337, %jit3A_338 : i32
        %ne3A_354 = arith.constant 0 : i32
        %ne3A_355 = arith.cmpi ne, %rem3A_353, %ne3A_354 : i32
        %and3A_356 = arith.andi %ne3A_352, %ne3A_355 : i1
        %sub3A = arith.constant 1 : i32
        %sub3A_357 = arith.subi %div3A, %sub3A : i32
        %select_n3A_358 = arith.select %and3A_356, %sub3A_357, %div3A : i32
        %and3A_359 = arith.constant 1 : i32
        %and3A_360 = arith.andi %select_n3A_358, %and3A_359 : i32
        %jit3A_361 = arith.constant 32 : i32
        %eq3A_362 = arith.constant 0 : i32
        %eq3A_363 = arith.cmpi eq, %jit3A_361, %eq3A_362 : i32
        %jit3A_364 = arith.constant 1 : i32
        %select_n3A_365 = arith.select %eq3A_363, %jit3A_364, %jit3A_361 : i32
        %rem3A_366 = arith.remsi %add3A_337, %select_n3A_365 : i32
        %ne3A_367 = arith.constant 0 : i32
        %ne3A_368 = arith.cmpi ne, %rem3A_366, %ne3A_367 : i32
        %lt3A_369 = arith.constant 0 : i32
        %lt3A_370 = arith.cmpi slt, %rem3A_366, %lt3A_369 : i32
        %lt3A_371 = arith.constant 0 : i32
        %lt3A_372 = arith.cmpi slt, %select_n3A_365, %lt3A_371 : i32
        %ne3A_373 = arith.xori %lt3A_370, %lt3A_372 : i1
        %and3A_374 = arith.andi %ne3A_373, %ne3A_368 : i1
        %add3A_375 = arith.addi %rem3A_366, %select_n3A_365 : i32
        %select_n3A_376 = arith.select %and3A_374, %add3A_375, %rem3A_366 : i32
        %dma_start3A_377 = arith.constant 1 : i32
        %dma_start3A_378 = arith.constant 0 : i32
        %dma_start3A_379 = arith.constant 0 : i32
        %dma_start3A_380 = tpu.memref_slice %arg8[%dma_start3A_377, %dma_start3A_378, %dma_start3A_379] : memref<2x200x64xf32, #tpu.memory_space<vmem>> -> memref<1x128x64xf32, #tpu.memory_space<vmem>>
        %dma_start3A_381 = tpu.memref_squeeze %dma_start3A_380 : memref<1x128x64xf32, #tpu.memory_space<vmem>> -> memref<128x64xf32, #tpu.memory_space<vmem>>
        %dma_start3A_382 = arith.constant 0 : i32
        %dma_start3A_383 = tpu.memref_slice %arg6[%and3A_360, %select_n3A_376, %dma_start3A_382] : memref<2x32x200xi32, #tpu.memory_space<vmem>> -> memref<1x1x128xi32, #tpu.memory_space<vmem>>
        %dma_start3A_384 = tpu.memref_squeeze %dma_start3A_383 : memref<1x1x128xi32, #tpu.memory_space<vmem>> -> memref<128xi32, #tpu.memory_space<vmem>>
        %dma_start3A_385 = arith.constant 0 : i32
        %dma_start3A_386 = arith.constant 0 : i32
        %dma_start3A_387 = tpu.memref_slice %arg3[%dma_start3A_385, %dma_start3A_386] : memref<1000000x64xf32, #tpu.memory_space<hbm>> -> memref<1000000x64xf32, #tpu.memory_space<hbm>>
        tpu.enqueue_indirect_dma source(%dma_start3A_387 : memref<1000000x64xf32, #tpu.memory_space<hbm>>) target(%dma_start3A_381 : memref<128x64xf32, #tpu.memory_space<vmem>>) offsets(%dma_start3A_384 : memref<128xi32, #tpu.memory_space<vmem>>) semaphore(%arg11 : memref<!tpu.dma_semaphore, #tpu.memory_space<semaphore_mem>>)
        %dma_start3A_388 = arith.constant 1 : i32
        %dma_start3A_389 = arith.constant 128 : i32
        %dma_start3A_390 = arith.constant 0 : i32
        %dma_start3A_391 = tpu.memref_slice %arg8[%dma_start3A_388, %dma_start3A_389, %dma_start3A_390] : memref<2x200x64xf32, #tpu.memory_space<vmem>> -> memref<1x72x64xf32, #tpu.memory_space<vmem>>
        %dma_start3A_392 = tpu.memref_squeeze %dma_start3A_391 : memref<1x72x64xf32, #tpu.memory_space<vmem>> -> memref<72x64xf32, #tpu.memory_space<vmem>>
        %dma_start3A_393 = arith.constant 128 : i32
        %dma_start3A_394 = tpu.memref_slice %arg6[%and3A_360, %select_n3A_376, %dma_start3A_393] : memref<2x32x200xi32, #tpu.memory_space<vmem>> -> memref<1x1x72xi32, #tpu.memory_space<vmem>>
        %dma_start3A_395 = tpu.memref_squeeze %dma_start3A_394 : memref<1x1x72xi32, #tpu.memory_space<vmem>> -> memref<72xi32, #tpu.memory_space<vmem>>
        %dma_start3A_396 = arith.constant 0 : i32
        %dma_start3A_397 = arith.constant 0 : i32
        %dma_start3A_398 = tpu.memref_slice %arg3[%dma_start3A_396, %dma_start3A_397] : memref<1000000x64xf32, #tpu.memory_space<hbm>> -> memref<1000000x64xf32, #tpu.memory_space<hbm>>
        tpu.enqueue_indirect_dma source(%dma_start3A_398 : memref<1000000x64xf32, #tpu.memory_space<hbm>>) target(%dma_start3A_392 : memref<72x64xf32, #tpu.memory_space<vmem>>) offsets(%dma_start3A_395 : memref<72xi32, #tpu.memory_space<vmem>>) semaphore(%arg11 : memref<!tpu.dma_semaphore, #tpu.memory_space<semaphore_mem>>)
      } else {
      }
    }
    %scan3A_73 = arith.constant 64 : i32
    %dma_wait3A = arith.constant 0 : i32
    %dma_wait3A_74 = arith.constant 0 : i32
    %dma_wait3A_75 = arith.constant 0 : i32
    %dma_wait3A_76 = tpu.memref_slice %arg9[%dma_wait3A, %dma_wait3A_74, %dma_wait3A_75] : memref<2x100x128xf32, #tpu.memory_space<vmem>> -> memref<1x100x128xf32, #tpu.memory_space<vmem>>
    %dma_wait3A_77 = tpu.memref_squeeze %dma_wait3A_76 : memref<1x100x128xf32, #tpu.memory_space<vmem>> -> memref<100x128xf32, #tpu.memory_space<vmem>>
    %dma_wait3A_78 = arith.constant 0 : i32
    %dma_wait3A_79 = arith.constant 0 : i32
    %dma_wait3A_80 = tpu.memref_slice %arg5[%dma_wait3A_78, %dma_wait3A_79] : memref<409600x128xf32, #tpu.memory_space<hbm>> -> memref<100x128xf32, #tpu.memory_space<hbm>>
    %dma_wait3A_81 = arith.constant 0 : i32
    %dma_wait3A_82 = arith.constant 0 : i32
    %dma_wait3A_83 = tpu.memref_slice %arg5[%dma_wait3A_81, %dma_wait3A_82] : memref<409600x128xf32, #tpu.memory_space<hbm>> -> memref<100x128xf32, #tpu.memory_space<hbm>>
    %dma_wait3A_84 = arith.constant 0 : i32
    %dma_wait3A_85 = arith.constant 0 : i32
    %dma_wait3A_86 = tpu.memref_slice %arg9[%dma_wait3A, %dma_wait3A_84, %dma_wait3A_85] : memref<2x100x128xf32, #tpu.memory_space<vmem>> -> memref<1x100x128xf32, #tpu.memory_space<vmem>>
    %dma_wait3A_87 = tpu.memref_squeeze %dma_wait3A_86 : memref<1x100x128xf32, #tpu.memory_space<vmem>> -> memref<100x128xf32, #tpu.memory_space<vmem>>
    tpu.wait_dma2 semaphore(%arg12 : memref<!tpu.dma_semaphore, #tpu.memory_space<semaphore_mem>>) src(%dma_wait3A_87 : memref<100x128xf32, #tpu.memory_space<vmem>>) dst(%dma_wait3A_83 : memref<100x128xf32, #tpu.memory_space<hbm>>)
    %dma_wait3A_88 = arith.constant 1 : i32
    %dma_wait3A_89 = arith.constant 0 : i32
    %dma_wait3A_90 = arith.constant 0 : i32
    %dma_wait3A_91 = tpu.memref_slice %arg9[%dma_wait3A_88, %dma_wait3A_89, %dma_wait3A_90] : memref<2x100x128xf32, #tpu.memory_space<vmem>> -> memref<1x100x128xf32, #tpu.memory_space<vmem>>
    %dma_wait3A_92 = tpu.memref_squeeze %dma_wait3A_91 : memref<1x100x128xf32, #tpu.memory_space<vmem>> -> memref<100x128xf32, #tpu.memory_space<vmem>>
    %dma_wait3A_93 = arith.constant 0 : i32
    %dma_wait3A_94 = arith.constant 0 : i32
    %dma_wait3A_95 = tpu.memref_slice %arg5[%dma_wait3A_93, %dma_wait3A_94] : memref<409600x128xf32, #tpu.memory_space<hbm>> -> memref<100x128xf32, #tpu.memory_space<hbm>>
    %dma_wait3A_96 = arith.constant 0 : i32
    %dma_wait3A_97 = arith.constant 0 : i32
    %dma_wait3A_98 = tpu.memref_slice %arg5[%dma_wait3A_96, %dma_wait3A_97] : memref<409600x128xf32, #tpu.memory_space<hbm>> -> memref<100x128xf32, #tpu.memory_space<hbm>>
    %dma_wait3A_99 = arith.constant 0 : i32
    %dma_wait3A_100 = arith.constant 0 : i32
    %dma_wait3A_101 = tpu.memref_slice %arg9[%dma_wait3A_88, %dma_wait3A_99, %dma_wait3A_100] : memref<2x100x128xf32, #tpu.memory_space<vmem>> -> memref<1x100x128xf32, #tpu.memory_space<vmem>>
    %dma_wait3A_102 = tpu.memref_squeeze %dma_wait3A_101 : memref<1x100x128xf32, #tpu.memory_space<vmem>> -> memref<100x128xf32, #tpu.memory_space<vmem>>
    tpu.wait_dma2 semaphore(%arg13 : memref<!tpu.dma_semaphore, #tpu.memory_space<semaphore_mem>>) src(%dma_wait3A_102 : memref<100x128xf32, #tpu.memory_space<vmem>>) dst(%dma_wait3A_98 : memref<100x128xf32, #tpu.memory_space<hbm>>)
    return
  }
}

</mosaic_0001>

<sc_bundles>
// kernel: kernel.3.cloned.1.call-start
scs
__scs_entry_jumppad:
0x0: {  	(pc) =	sbr.rel $0x88, $3  }
0x1: {  	(tag) =	ssettag $0x0;
	lr =	simm.s32 $0x1  }
0x2: {  	[smem:$0x3F9E] =	sst lr;
	_ =	strace $0xD0000000  }
0x3: {  	_ = 	snop  }
0x4: {  	_ = 	snop  }
0x5: {  	_ = 	snop  }
0x6: {  	_ = 	snop  }
0x7: {  	_ = 	snop  }
__scs_overlays_trampoline_lowered:
0x8: {  	[smem:$0x3FAD] =	sst s0  }
0x9: {  	[smem:$0x3FAE] =	sst s1  }
0xa: {  	[smem:$0x3FAF] =	sst s2  }
0xb: {  	[smem:$0x3FB0] =	sst s3  }
0xc: {  	[smem:$0x3FB1] =	sst s4  }
0xd: {  	[smem:$0x3FB2] =	sst s5  }
0xe: {  	[smem:$0x3FB3] =	sst s6  }
0xf: {  	[smem:$0x3FB4] =	sst s7  }
0x10: {  	[smem:$0x3FB5] =	sst s8  }
0x11: {  	[smem:$0x3FB6] =	sst s9;
	s0 =	simm.s32 @!p0 $0x0  }
0x12: {  	s1 =	sld [smem:$0x3F9C];
	s0 =	simm.s32 @p0 $0x1  }
0x13: {  	[smem:$0x3FB7] =	sst s0;
	s0 =	simm.s32 @!p1 $0x0  }
0x14: {  	s2 =	sld [smem:$0x3F9B];
	s0 =	simm.s32 @p1 $0x1  }
0x15: {  	[smem:$0x3FB8] =	sst s0;
	s0 =	simm.s32 @!p2 $0x0  }
0x16: {  	s3 =	sld [smem:$0x3FDB];
	s0 =	simm.s32 @p2 $0x1  }
0x17: {  	s4 =	simm.s32 $0x1BF5;
	[smem:$0x3FBA] =	sst s0  }
0x18: {  	s0 =	sld [smem:$0x3F9D];
	_ =	swait.ge [sflag:s4], $0x0  }
0x19: {  	s7 =	sld [smem:$0x3F9E]  }
0x1a: {  	s8 =	sadd.s32 $0xFFFFE003, lr  }
0x1b: {  	s9 =	sadd.s32 $0xFFFFFEF7, lr;
	s5 =	simm.s32 $0xFFFFFFFF;
	p2 =	slt.u32 s8, $0xFFFFF086  }
0x1c: {  	p1 =	slt.u32 s9, $0xF7A;
	s5 =	simm.s32 @!p2 $0x0  }
0x1d: {  	s5 =	simm.s32 @p1 $0x1;
	p0 =	seq.s32 s7, s2  }
0x1e: {  	s7 =	smul.u32 @!p0 $0xF7A, s2;
	p2 =	seq.s32 @!p0 s5, $0x0  }
0x1f: {  	s9 =	smul.u32 $0xF7A, s1;
	s8 =	simm.s32 @!p0 $0x1BF5;
	p2 =	por !p2, p0  }
0x20: {  	[sflag:s8] =	ssyncset.s32 @!p0 $0xFFFFF086;
	s6 =	sadd.s32 @!p0 s3, s7;
	s7 =	simm.s32 @!p0 $0x108  }
0x21: {  	s3 =	sadd.s32 s3, s9;
	s6 =	sadd.s32 @!p0 $0x88, s6;
	s7 =	simm.s32 @p2 $0x1082  }
0x22: {  	[simem:s7], [sflag:s8] =	dma.local @!p0 [hbm:s6], $0xF7A  }
0x23: {  	s9 =	sor.u32 $0xD0000000, s2;
	s6 =	simm.s32 $0x108;
	_ =	swait.ge @!p0 [sflag:s8], $0x0  }
0x24: {  	s3 =	sadd.s32 $0x88, s3;
	s6 =	simm.s32 @!p1 $0x1082;
	[sflag:s4] =	ssyncset.s32 $0xFFFFF086  }
0x25: {  	[simem:s6], [sflag:s4] =	dma.local [hbm:s3], $0xF7A  }
0x26: {  	[smem:$0x3F9E] =	sst s1;
	(tag) =	ssettag s2;
	_ =	strace s9  }
0x27: {  	s1 =	sld [smem:$0x3FAE]  }
0x28: {  	s2 =	sld [smem:$0x3FAF]  }
0x29: {  	s4 =	sld [smem:$0x3FB1]  }
0x2a: {  	p0 =	seq.s32 s5, $0x0;
	s5 =	sld [smem:$0x3FB2]  }
0x2b: {  	s6 =	sld [smem:$0x3FB3]  }
0x2c: {  	s7 =	sld [smem:$0x3FB4]  }
0x2d: {  	s3 =	simm.s32 $0x108;
	s8 =	sld [smem:$0x3FB5]  }
0x2e: {  	s3 =	simm.s32 @!p0 $0x1082;
	s9 =	sld [smem:$0x3FB6]  }
0x2f: {  	lr =	sadd.s32 s0, s3;
	s0 =	sld [smem:$0x3FAD]  }
0x30: {  	s3 =	sld [smem:$0x3FB0]  }
0x31: {  	[smem:$0x3FB9] =	sst s10  }
0x32: {  	s10 =	sld [smem:$0x3FB7];
	_ =	sdelay $0x3  }
0x33: {  	p0 =	seq.s32 s10, $0x1;
	s10 =	sld [smem:$0x3FB9];
	_ =	sdelay $0x3  }
0x34: {  	[smem:$0x3FB9] =	sst s10  }
0x35: {  	s10 =	sld [smem:$0x3FB8];
	_ =	sdelay $0x3  }
0x36: {  	p1 =	seq.s32 s10, $0x1;
	s10 =	sld [smem:$0x3FB9];
	_ =	sdelay $0x3  }
0x37: {  	[smem:$0x3FB9] =	sst s10  }
0x38: {  	s10 =	sld [smem:$0x3FBA]  }
0x39: {  	_ = 	snop;
	(pc) =	sbr.ind lr, $3  }
0x3a: {  	_ = 	snop  }
0x3b: {  	_ = 	snop  }
0x3c: {  	p2 =	seq.s32 s10, $0x1;
	s10 =	sld [smem:$0x3FB9]  }
0x3d: {  	_ =	shalt  }
0x3e: {  	_ =	shalt  }
0x3f: {  	_ =	shalt  }
0x40: {  	_ =	shalt  }
0x41: {  	_ =	shalt  }
0x42: {  	_ =	shalt  }
0x43: {  	_ =	shalt  }
0x44: {  	_ =	shalt  }
0x45: {  	_ =	shalt  }
0x46: {  	_ =	shalt  }
0x47: {  	_ =	shalt  }
0x48: {  	_ =	shalt  }
0x49: {  	_ =	shalt  }
0x4a: {  	_ =	shalt  }
0x4b: {  	_ =	shalt  }
0x4c: {  	_ =	shalt  }
0x4d: {  	_ =	shalt  }
0x4e: {  	_ =	shalt  }
0x4f: {  	_ =	shalt  }
0x50: {  	_ =	shalt  }
0x51: {  	_ =	shalt  }
0x52: {  	_ =	shalt  }
0x53: {  	_ =	shalt  }
0x54: {  	_ =	shalt  }
0x55: {  	_ =	shalt  }
0x56: {  	_ =	shalt  }
0x57: {  	_ =	shalt  }
0x58: {  	_ =	shalt  }
0x59: {  	_ =	shalt  }
0x5a: {  	_ =	shalt  }
0x5b: {  	_ =	shalt  }
0x5c: {  	_ =	shalt  }
0x5d: {  	_ =	shalt  }
0x5e: {  	_ =	shalt  }
0x5f: {  	_ =	shalt  }
0x60: {  	_ =	shalt  }
0x61: {  	_ =	shalt  }
0x62: {  	_ =	shalt  }
0x63: {  	_ =	shalt  }
0x64: {  	_ =	shalt  }
0x65: {  	_ =	shalt  }
0x66: {  	_ =	shalt  }
0x67: {  	_ =	shalt  }
0x68: {  	_ =	shalt  }
0x69: {  	_ =	shalt  }
0x6a: {  	_ =	shalt  }
0x6b: {  	_ =	shalt  }
0x6c: {  	_ =	shalt  }
0x6d: {  	_ =	shalt  }
0x6e: {  	_ =	shalt  }
0x6f: {  	_ =	shalt  }
0x70: {  	_ =	shalt  }
0x71: {  	_ =	shalt  }
0x72: {  	_ =	shalt  }
0x73: {  	_ =	shalt  }
0x74: {  	_ =	shalt  }
0x75: {  	_ =	shalt  }
0x76: {  	_ =	shalt  }
0x77: {  	_ =	shalt  }
0x78: {  	_ =	shalt  }
0x79: {  	_ =	shalt  }
0x7a: {  	_ =	shalt  }
0x7b: {  	_ =	shalt  }
0x7c: {  	_ =	shalt  }
0x7d: {  	_ =	shalt  }
0x7e: {  	_ =	shalt  }
0x7f: {  	_ =	shalt  }
0x80: {  	_ =	shalt  }
0x81: {  	_ =	shalt  }
0x82: {  	_ =	shalt  }
0x83: {  	_ =	shalt  }
0x84: {  	_ =	shalt  }
0x85: {  	_ =	shalt  }
0x86: {  	_ =	shalt  }
0x87: {  	_ =	shalt  }
.Lfunc_end0:
.L_simem_size_0:
called_computation.1_lowered:
.L_overlay_start_0:
0x88: {  	s2 =	sld [smem:$0x3FD9]  }
0x89: {  	s3 =	sld [smem:$0x3FFE];
	_ =	sdelay $0x1  }
0x8a: {  	s1 =	srdreg.scid  }
0x8b: {  	s0 =	sand.u32 $0x1, s1  }
0x8c: {  	s17 =	sshll.u32 s0, $0xA;
	s2 =	sadd.s32 s3, s2  }
0x8d: {  	s2 =	sadd.s32 s2, s17  }
0x8e: {  	[smem:$0x3FC5] =	sst s2  }
0x8f: {  	_ = 	snop  }
0x90: {  	s2 =	sld [smem:$0x3FD0];
	(tm) =	ssettm $0x1  }
0x91: {  	s18 =	sld [smem:$0x3FFB];
	_ =	sdelay $0x3  }
0x92: {  	_ =	strace s18  }
0x93: {  	s3 =	sld [smem:$0x3FFC];
	_ =	sdelay $0x3  }
0x94: {  	_ =	strace s3  }
0x95: {  	s3 =	sld [smem:$0x3FFD];
	_ =	sdelay $0x3  }
0x96: {  	_ =	strace s3  }
0x97: {  	_ =	strace $0x8FFFFFFF  }
0x98: {  	s19 =	sld [smem:$0x3FDB];
	_ =	sdelay $0x1  }
0x99: {  	s4 =	simm.s32 $_scs_section_size  }
0x9a: {  	s5 =	simm.s32 $_size__tile_overlayer_lowered;
	s6 =	simm.s32 $_tile_overlayer_lowered  }
0x9b: {  	s22 =	simm.s32 $0x1BFF;
	s21 =	sshll.u32 s6, $0x1;
	s3 =	sadd.s32 s4, s19  }
0x9c: {  	s7 =	simm.s32 $0x0;
	s20 =	sshll.u32 s5, $0x1;
	s5 =	sadd.s32 s21, s3  }
0x9d: {  	[timem:s7], [sflag:s22] =	dma.local [hbm:s5], s20  }
0x9e: {  	_ =	swait.ge [sflag:s22], s20  }
0x9f: {  	s4 =	ssub.s32 $0x0, s20;
	[sflag:s22] =	ssyncset.done $0x0  }
0xa0: {  	[sflag:s22] =	ssyncadd.s32 s4;
	_ =	sdelay $0x1  }
0xa1: {  	s23 =	simm.s32 $0x1B8B  }
0xa2: {  	_ =	swait.ge [sflag:s23], $0x1  }
0xa3: {  	[sflag:s23] =	ssyncset.done $0x0  }
0xa4: {  	s25 =	simm.s32 $0x1B8E;
	s24 =	sld [smem:$0x3FFE];
	[sflag:s23] =	ssyncadd.s32 $0xFFFFFFFF  }
0xa5: {  	s26 =	simm.s32 $execute0_lowered;
	[smem:$0x3FD2] =	sst s25  }
0xa6: {  	s5 =	sshll.u32 s26, $0x1;
	_ =	strace $0x80000046;
	[dreg:$0x1] =	wrdreg $0xFFFFFFFF  }
0xa7: {  	s28 =	simm.s32 $_size_execute0_lowered;
	s3 =	sadd.s32 s3, s5;
	[dreg:$0x0] =	wrdreg $0x0  }
0xa8: {  	s5 =	sshll.u32 s28, $0x1;
	[dreg:$0x2] =	wrdreg s3  }
0xa9: {  	[dreg:$0x3] =	wrdreg s5  }
0xaa: {  	[dreg:$0x4] =	wrdreg $0xC0  }
0xab: {  	_ =	task [dreg:s7], $0x5FFFF  }
0xac: {  	[dreg:$0x1] =	wrdreg $0xFFFFFFFF  }
0xad: {  	[dreg:$0x0] =	wrdreg $0x60  }
0xae: {  	[dreg:$0x2] =	wrdreg s24  }
0xaf: {  	[dreg:$0x3] =	wrdreg s2  }
0xb0: {  	[dreg:$0x4] =	wrdreg $0x9  }
0xb1: {  	_ =	task.clear_ibuf [dreg:s7], $0x5FFFF;
	_ =	strace $0x90000046  }
0xb2: {  	s29 =	simm.s32 $0x9;
	_ =	strace $0x80000048  }
0xb3: {  	_ =	swait.ge [sflag:s29], $0x1  }
0xb4: {  	[sflag:s29] =	ssyncadd.s32 $0xFFFFFFFF  }
0xb5: {  	_ =	strace $0x90000048  }
0xb6: {  	_ =	sfence  }
0xb7: {  	s30 =	sld [smem:$0x0];
	_ =	sdelay $0x2  }
0xb8: {  	s31 =	sshll.u32 s1, $0xD;
	s1 =	sshrl.u32 s1, $0x2  }
0xb9: {  	s3 =	sand.u32 $0x4000, s31;
	s1 =	sadd.s32 s1, s30  }
0xba: {  	s0 =	sor.u32 s3, s0;
	s1 =	sshll.u32 s1, $0x11  }
0xbb: {  	s0 =	sor.u32 s1, s0  }
0xbc: {  	s0 =	sadd.s32 $0x8F2B, s0  }
0xbd: {  	[sflag:s0] =	ssyncadd.remote.s32 $0x1  }
0xbe: {  	_ =	sfence.sel $0xFFFF  }
0xbf: {  	[dreg:$0x0] =	wrdreg $0xFFFFFFFF;
	(pc) =	sbr.abs _section_cstart, $3  }
0xc0: {  	[dreg:$0x1] =	wrdreg $0xFFFFFFFF  }
0xc1: {  	_ =	task.clear_ibuf [dreg:s7], $0x2FFFF;
	_ =	strace $0x9FFFFFFF  }
0xc2: {  	(tm) =	ssettm $0x7FFFFFFF  }
0xc3: {  	_ =	shalt  }
tec
execute0_lowered:
.L_overlay_start_1:
0x0: {  	(tag) =	ssettag $0x1  }
0x1: {  	s0 =	rddreg [dreg:$0x0]  }
0x2: {  	s2 =	rddreg [dreg:$0x1]  }
0x3: {  	s1 =	srdreg.scid;
	s4 =	stileid.u32;
	s3 =	simm.s32 $0x0  }
0x4: {  	s11 =	simm.s32 $0x6;
	s14 =	simm.s32 $0x80;
	s15 =	simm.s32 $0x6400  }
0x5: {  	s16 =	simm.s32 $0x48;
	s17 =	simm.s32 $0x8400;
	s19 =	simm.s32 $0x9600  }
0x6: {  	s21 =	simm.s32 $0xB600;
	s22 =	simm.s32 $0x1;
	s23 =	simm.s32 $0xC800  }
0x7: {  	s24 =	simm.s32 $0x5;
	s25 =	simm.s32 $0x2;
	s1 =	sand.u32 $0x1, s1  }
0x8: {  	s28 =	simm.s32 $0x3;
	s4 =	sshll.u32 s4, $0x8;
	s5 =	sshll.u32 s1, $0x7  }
0x9: {  	s29 =	simm.s32 $0x4;
	s30 =	simm.s32 $0x0;
	s4 =	sor.u32 s5, s4  }
0xa: {  	[smem:$0x7FF] =	sst s3;
	s6 =	sadd.s32 $0xF43000, s0;
	s7 =	smul.u32 $0xC8, s4  }
.Ltmp0:
0xb: {  	_ =	strace $0x80000047;
	s1 =	ssub.s32 $0x2, s1;
	(pc) =	sbr.rel .LBB2_1-.Ltmp0, $4  }
0xc: {  	s5 =	sadd.s32 $0xC00, s0;
	s0 =	sadd.s32 $0x19C00, s0;
	s26 =	sshrl.u32 s1, $0x1  }
0xd: {  	s8 =	smul.u32 $0x19, s4;
	[dreg:$0x3] =	wrdreg s0;
	s7 =	sshrl.u32 s7, $0x3  }
0xe: {  	s0 =	ssub.s32 s1, s26;
	s26 =	simm.s32 $0xFA00;
	s31 =	sadd.s32 s5, s7  }
0xf: {  	s10 =	smax.u32 s0, $0x1;
	s8 =	sadd.s32 s5, s8;
	s9 =	sadd.s32 $0x320, s31  }
.LBB2_14:
0x10: {  	s30 =	sadd.s32 $0x1, s30  }
0x11: {  	_ =	swait.ge [sflag:s28], $0x3200;
	p0 =	sne.s32 s30, s10  }
.Ltmp1:
0x12: {  	[sflag:s28] =	ssyncset.done $0x0;
	(pc) =	sbr.rel @!p0 .LBB2_15-.Ltmp1, $4  }
0x13: {  	[sflag:s28] =	ssyncadd.s32 $0xFFFFCE00  }
0x14: {  	_ =	swait.ge [sflag:s29], $0x3200  }
0x15: {  	[sflag:s29] =	ssyncset.done $0x0  }
0x16: {  	[sflag:s29] =	ssyncadd.s32 $0xFFFFCE00  }
.LBB2_1:
0x17: {  	[tilespmem:s3], [sflag:$0x6] =	stream.linear.gather [hbm4b:s8+s3], $0x1900, $0x38;
	[tilespmem:$0x12C00] =	vst v63  }
0x18: {  	_ =	swait.ge [sflag:s11], $0x1900  }
0x19: {  	[sflag:s11] =	ssyncset.done $0x0  }
0x1a: {  	s1 =	simm.s32 $0x3200;
	s0 =	rddreg [dreg:$0x3];
	[sflag:s11] =	ssyncadd.s32 $0xFFFFE700  }
0x1b: {  	[tilespmem:s1], [sflag:$0x6] =	stream.linear.gather [hbm4b:s0+s3], $0x3200, $0x38;
	[tilespmem:$0x12C00] =	vst v63  }
0x1c: {  	_ =	swait.ge [sflag:s11], $0x3200  }
0x1d: {  	[sflag:s11] =	ssyncset.done $0x0  }
0x1e: {  	s13 =	simm.s32 $0x1900;
	[sflag:s11] =	ssyncadd.s32 $0xFFFFCE00  }
0x1f: {  	[tilespmem:s13], [sflag:$0x5] =	stream.linear.gather [hbm4b:s9+s3], $0x1900, $0x38;
	[tilespmem:$0x12C00] =	vst v63  }
0x20: {  	_ = 	snop  }
0x21: {  	[tilespmem:s15], [sflag:$0x1] =	stream.indirect.gather [hbm4b:s6+s14], $0x40, s3, s14, $0xb8;
	[tilespmem:$0x12C00] =	vst v63  }
0x22: {  	_ = 	snop  }
0x23: {  	[tilespmem:s17], [sflag:$0x1] =	stream.indirect.gather [hbm4b:s6+s16], $0x40, s14, s16, $0xb8;
	[tilespmem:$0x12C00] =	vst v63  }
.Ltmp2:
0x24: {  	_ = 	snop;
	(pc) =	sbr.rel .LBB2_2-.Ltmp2, $4  }
0x25: {  	s18 =	simm.s32 $0xC8  }
0x26: {  	[tilespmem:s19], [sflag:$0x2] =	stream.indirect.gather [hbm4b:s6+s14], $0x40, s18, s14, $0xb8;
	[tilespmem:$0x12C00] =	vst v63  }
0x27: {  	s20 =	simm.s32 $0x148;
	s31 =	simm.s32 $0x0  }
0x28: {  	[tilespmem:s21], [sflag:$0x2] =	stream.indirect.gather [hbm4b:s6+s16], $0x40, s20, s16, $0xb8;
	[tilespmem:$0x12C00] =	vst v63  }
.LBB2_11:
0x29: {  	s1 =	sshrl.u32 s1, $0x5  }
0x2a: {  	s1 =	sadd.s32 $0x1, s1  }
0x2b: {  	s7 =	sshll.u32 s1, $0x5  }
0x2c: {  	s7 =	sadd.s32 s4, s7  }
0x2d: {  	s1 =	sand.u32 $0x1, s1;
	s7 =	smul.u32 $0x19, s7  }
0x2e: {  	p0 =	seq.s32 s1, $0x1;
	s1 =	simm.s32 $0x1900  }
0x2f: {  	s1 =	simm.s32 @!p0 $0x0;
	s7 =	sadd.s32 s5, s7  }
0x30: {  	[tilespmem:s1], [sflag:$0x5] =	stream.linear.gather [hbm4b:s7+s3], $0x1900, $0x38;
	[tilespmem:$0x12C00] =	vst v63  }
.LBB2_13:
0x31: {  	s0 =	sadd.s32 $0x3, s0  }
0x32: {  	s1 =	sand.u32 $0x1F, s0  }
0x33: {  	s0 =	sshll.u32 s0, $0x1A;
	s1 =	smul.u32 $0x320, s1  }
0x34: {  	s0 =	sshra.s32 s0, $0x1F  }
0x35: {  	s0 =	sand.u32 $0x1900, s0;
	s1 =	sshrl.u32 s1, $0x2  }
0x36: {  	s0 =	sadd.s32 s1, s0  }
0x37: {  	[tilespmem:s19], [sflag:$0x2] =	stream.indirect.gather [hbm4b:s6+s14], $0x40, s0, s14, $0xb8;
	[tilespmem:$0x12C00] =	vst v63  }
0x38: {  	s31 =	sadd.s32 $0x1, s31;
	s0 =	sadd.s32 $0x80, s0  }
0x39: {  	[tilespmem:s21], [sflag:$0x2] =	stream.indirect.gather [hbm4b:s6+s16], $0x40, s0, s16, $0xb8;
	[tilespmem:$0x12C00] =	vst v63  }
.LBB2_2:
0x3a: {  	_ =	swait.ge [sflag:s22], $0x2000  }
0x3b: {  	[sflag:s22] =	ssyncset.done $0x0  }
0x3c: {  	[sflag:s22] =	ssyncadd.s32 $0xFFFFE000  }
0x3d: {  	_ =	swait.ge [sflag:s22], $0x1200  }
0x3e: {  	p0 =	seq.s32 s31, $0x0;
	[sflag:s22] =	ssyncset.done $0x0  }
0x3f: {  	s0 =	simm.s32 @!p0 $0x3;
	[sflag:s22] =	ssyncadd.s32 $0xFFFFEE00  }
0x40: {  	_ =	swait.ge @!p0 [sflag:s0], $0x3200  }
0x41: {  	[sflag:s0] =	ssyncset.done @!p0 $0x0  }
0x42: {  	s1 =	simm.s32 $0x0;
	[sflag:s0] =	ssyncadd.s32 @!p0 $0xFFFFCE00  }
0x43: {  	v0 =	vld [tilespmem:s1+$0x6470]  }
0x44: {  	v1 =	vld [tilespmem:s1+$0x6400]  }
0x45: {  	v2 =	vld [tilespmem:s1+$0x3270]  }
0x46: {  	v3 =	vld [tilespmem:s1+$0x6410]  }
0x47: {  	v4 =	vld [tilespmem:s1+$0x6420]  }
0x48: {  	v7 =	vld [tilespmem:s1+$0x6430]  }
0x49: {  	v9 =	vld [tilespmem:s1+$0x6440]  }
0x4a: {  	v11 =	vld [tilespmem:s1+$0x6450];
	v0 =	vmul.f32 $8.000000000e+00, v0  }
0x4b: {  	v12 =	vld [tilespmem:s1+$0x6460]  }
0x4c: {  	v0 =	vadd.f32 v2, v0;
	v2 =	vld [tilespmem:s1+$0x3200]  }
0x4d: {  	v13 =	vld [tilespmem:s1+$0x3210]  }
0x4e: {  	v8 =	vld [tilespmem:s1+$0x3220]  }
0x4f: {  	v6 =	vld [tilespmem:s1+$0x3230];
	[tilespmem:s1+$0xC870] =	vst v0;
	v0 =	vmul.f32 $8.000000000e+00, v1  }
0x50: {  	v14 =	vmul.f32 $8.000000000e+00, v3;
	v5 =	vmul.f32 $8.000000000e+00, v4;
	v4 =	vld [tilespmem:s1+$0x3240]  }
0x51: {  	v3 =	vmul.f32 $8.000000000e+00, v7;
	v7 =	vld [tilespmem:s1+$0x3250];
	v1 =	vmul.f32 $8.000000000e+00, v9;
	v10 =	vadd.f32 v2, v0  }
0x52: {  	s12 =	simm.s32 $0x80;
	s13 =	simm.s32 $0x400;
	s0 =	sshll.u32 s31, $0x1;
	v9 =	vld [tilespmem:s1+$0x3260];
	v2 =	vmul.f32 $8.000000000e+00, v11;
	v0 =	vmul.f32 $8.000000000e+00, v12;
	v11 =	vadd.f32 v13, v14  }
.LBB2_3:
0x53: {  	p1 =	sne.s32 s13, $0xC600;
	v12 =	vld [tilespmem:s12+$0x6470];
	[tilespmem:s1+$0xC800] =	vst v10;
	v5 =	vadd.f32 v8, v5  }
0x54: {  	v8 =	vld [tilespmem:s12+$0x6400];
	[tilespmem:s1+$0xC810] =	vst v11;
	v3 =	vadd.f32 v6, v3  }
0x55: {  	v6 =	vld [tilespmem:s12+$0x3270];
	[tilespmem:s1+$0xC820] =	vst v5;
	v1 =	vadd.f32 v4, v1  }
0x56: {  	v4 =	vld [tilespmem:s12+$0x6410];
	[tilespmem:s1+$0xC830] =	vst v3;
	v2 =	vadd.f32 v7, v2  }
0x57: {  	v3 =	vld [tilespmem:s12+$0x6420];
	[tilespmem:s1+$0xC840] =	vst v1;
	v0 =	vadd.f32 v9, v0  }
0x58: {  	v1 =	vld [tilespmem:s12+$0x6430];
	v5 =	vmul.f32 $8.000000000e+00, v12;
	[tilespmem:s1+$0xC850] =	vst v2  }
0x59: {  	v7 =	vmul.f32 $8.000000000e+00, v8;
	v2 =	vld [tilespmem:s12+$0x6440];
	[tilespmem:s1+$0xC860] =	vst v0;
	s1 =	smov.u32 s12  }
0x5a: {  	v0 =	vld [tilespmem:s1+$0x6450];
	v6 =	vadd.f32 v6, v5  }
0x5b: {  	v9 =	vmul.f32 $8.000000000e+00, v4;
	v10 =	vld [tilespmem:s1+$0x6460]  }
0x5c: {  	v11 =	vld [tilespmem:s1+$0x3200];
	v5 =	vmul.f32 $8.000000000e+00, v3;
	[tilespmem:s1+$0xC870] =	vst v6  }
0x5d: {  	v12 =	vld [tilespmem:s1+$0x3210];
	v3 =	vmul.f32 $8.000000000e+00, v1  }
.Ltmp3:
0x5e: {  	v8 =	vld [tilespmem:s1+$0x3220];
	v1 =	vmul.f32 $8.000000000e+00, v2;
	(pc) =	sbr.rel @p1 .LBB2_3-.Ltmp3, $4  }
0x5f: {  	v6 =	vld [tilespmem:s1+$0x3230];
	v2 =	vmul.f32 $8.000000000e+00, v0  }
0x60: {  	v4 =	vld [tilespmem:s1+$0x3240];
	v0 =	vmul.f32 $8.000000000e+00, v10  }
0x61: {  	v10 =	vadd.f32 v11, v7;
	v7 =	vld [tilespmem:s1+$0x3250]  }
0x62: {  	s12 =	sshra.s32 s13, $0x2;
	s13 =	sadd.s32 $0x200, s13;
	v11 =	vadd.f32 v12, v9;
	v9 =	vld [tilespmem:s1+$0x3260]  }
0x63: {  	v12 =	vld [tilespmem:s12+$0x6470];
	[tilespmem:s1+$0xC800] =	vst v10;
	v5 =	vadd.f32 v8, v5  }
0x64: {  	v10 =	vld [tilespmem:s12+$0x6400];
	[tilespmem:s1+$0xC810] =	vst v11;
	v3 =	vadd.f32 v6, v3  }
0x65: {  	v52 =	vld [tilespmem:s12+$0x3270];
	[tilespmem:s1+$0xC820] =	vst v5;
	v1 =	vadd.f32 v4, v1  }
0x66: {  	v5 =	vld [tilespmem:s12+$0x6410];
	[tilespmem:s1+$0xC830] =	vst v3;
	v2 =	vadd.f32 v7, v2  }
0x67: {  	v3 =	vld [tilespmem:s12+$0x6420];
	[tilespmem:s1+$0xC840] =	vst v1;
	v0 =	vadd.f32 v9, v0  }
0x68: {  	v1 =	vld [tilespmem:s12+$0x6430];
	[tilespmem:s1+$0xC850] =	vst v2  }
0x69: {  	v2 =	vld [tilespmem:s12+$0x6440];
	[tilespmem:s1+$0xC860] =	vst v0  }
0x6a: {  	v0 =	vld [tilespmem:s12+$0x6450]  }
0x6b: {  	v54 =	vld [tilespmem:s12+$0x6460]  }
0x6c: {  	v55 =	vld [tilespmem:s12+$0x3200]  }
0x6d: {  	v56 =	vld [tilespmem:s12+$0x3210]  }
0x6e: {  	v53 =	vmul.f32 $8.000000000e+00, v12;
	v57 =	vld [tilespmem:s12+$0x3220]  }
0x6f: {  	v58 =	vmul.f32 $8.000000000e+00, v10;
	v59 =	vld [tilespmem:s12+$0x3230]  }
0x70: {  	v4 =	vadd.f32 v52, v53;
	v11 =	vld [tilespmem:s12+$0x3240];
	v5 =	vmul.f32 $8.000000000e+00, v5  }
0x71: {  	v60 =	vld [tilespmem:s12+$0x3250];
	v3 =	vmul.f32 $8.000000000e+00, v3;
	v7 =	vadd.f32 v55, v58  }
0x72: {  	v61 =	vld [tilespmem:s12+$0x3260];
	[tilespmem:s12+$0xC870] =	vst v4;
	v1 =	vmul.f32 $8.000000000e+00, v1;
	v4 =	vadd.f32 v56, v5  }
0x73: {  	v2 =	vmul.f32 $8.000000000e+00, v2;
	v3 =	vadd.f32 v57, v3;
	[tilespmem:s12+$0xC800] =	vst v7  }
0x74: {  	v0 =	vmul.f32 $8.000000000e+00, v0;
	v1 =	vadd.f32 v59, v1;
	[tilespmem:s12+$0xC810] =	vst v4  }
0x75: {  	v62 =	vmul.f32 $8.000000000e+00, v54;
	v2 =	vadd.f32 v11, v2;
	[tilespmem:s12+$0xC820] =	vst v3  }
0x76: {  	s20 =	sadd.s32 s4, s0;
	[tilespmem:s12+$0xC830] =	vst v1;
	v0 =	vadd.f32 v60, v0  }
0x77: {  	s1 =	smul.u32 $0x640, s20;
	v63 =	vadd.f32 v61, v62;
	[tilespmem:s12+$0xC840] =	vst v2  }
0x78: {  	[tilespmem:s12+$0xC850] =	vst v0  }
0x79: {  	s1 =	sadd.s32 s2, s1;
	[tilespmem:s12+$0xC860] =	vst v63  }
0x7a: {  	[hbm4b:s1+s3] =	stream.linear.scatter [tilespmem:s23], [sflag:$0x3], $0x3200, $0x38;
	[tilespmem:$0x12C00] =	vst v63  }
0x7b: {  	s1 =	sadd.s32 $0x2, s0  }
0x7c: {  	p1 =	seq.s32 s31, $0x3F;
	s12 =	sand.u32 $0x1E, s1  }
0x7d: {  	p2 =	sne.s32 @!p1 s12, $0x0  }
0x7e: {  	p2 =	por p1, p2  }
.Ltmp4:
0x7f: {  	_ = 	snop;
	(pc) =	sbr.rel @p2 .LBB2_6-.Ltmp4, $1  }
0x80: {  	_ =	sdelay $0x3  }
0x81: {  	_ =	swait.ge [sflag:s24], $0x1900  }
0x82: {  	[sflag:s24] =	ssyncset.done $0x0  }
0x83: {  	[sflag:s24] =	ssyncadd.s32 $0xFFFFE700  }
.LBB2_7:
0x84: {  	s7 =	sshll.u32 s1, $0x1A;
	s13 =	smul.u32 $0x320, s12  }
0x85: {  	s7 =	sshra.s32 s7, $0x1F  }
0x86: {  	s7 =	sand.u32 $0x1900, s7;
	s13 =	sshrl.u32 s13, $0x2  }
0x87: {  	s7 =	sadd.s32 s13, s7  }
0x88: {  	[tilespmem:s15], [sflag:$0x1] =	stream.indirect.gather [hbm4b:s6+s14], $0x40, s7, s14, $0xb8;
	[tilespmem:$0x12C00] =	vst v63  }
0x89: {  	s7 =	sadd.s32 $0x80, s7  }
0x8a: {  	[tilespmem:s17], [sflag:$0x1] =	stream.indirect.gather [hbm4b:s6+s16], $0x40, s7, s16, $0xb8;
	[tilespmem:$0x12C00] =	vst v63  }
.LBB2_8:
0x8b: {  	_ =	swait.ge [sflag:s25], $0x2000  }
0x8c: {  	[sflag:s25] =	ssyncset.done $0x0  }
0x8d: {  	[sflag:s25] =	ssyncadd.s32 $0xFFFFE000  }
0x8e: {  	_ =	swait.ge [sflag:s25], $0x1200  }
0x8f: {  	[sflag:s25] =	ssyncset.done $0x0  }
0x90: {  	s7 =	simm.s32 @!p0 $0x4;
	[sflag:s25] =	ssyncadd.s32 $0xFFFFEE00  }
0x91: {  	_ =	swait.ge @!p0 [sflag:s7], $0x3200  }
0x92: {  	[sflag:s7] =	ssyncset.done @!p0 $0x0  }
0x93: {  	s18 =	simm.s32 $0x0;
	[sflag:s7] =	ssyncadd.s32 @!p0 $0xFFFFCE00  }
0x94: {  	v0 =	vld [tilespmem:s18+$0x9670]  }
0x95: {  	v1 =	vld [tilespmem:s18+$0x9600]  }
0x96: {  	v2 =	vld [tilespmem:s18+$0x3270]  }
0x97: {  	v3 =	vld [tilespmem:s18+$0x9610]  }
0x98: {  	v4 =	vld [tilespmem:s18+$0x9620]  }
0x99: {  	v7 =	vld [tilespmem:s18+$0x9630]  }
0x9a: {  	v9 =	vld [tilespmem:s18+$0x9640]  }
0x9b: {  	v11 =	vld [tilespmem:s18+$0x9650];
	v0 =	vmul.f32 $8.000000000e+00, v0  }
0x9c: {  	v12 =	vld [tilespmem:s18+$0x9660]  }
0x9d: {  	v0 =	vadd.f32 v2, v0;
	v2 =	vld [tilespmem:s18+$0x3200]  }
0x9e: {  	v13 =	vld [tilespmem:s18+$0x3210]  }
0x9f: {  	v8 =	vld [tilespmem:s18+$0x3220]  }
0xa0: {  	v6 =	vld [tilespmem:s18+$0x3230];
	[tilespmem:s18+$0xFA70] =	vst v0;
	v0 =	vmul.f32 $8.000000000e+00, v1  }
0xa1: {  	v14 =	vmul.f32 $8.000000000e+00, v3;
	v5 =	vmul.f32 $8.000000000e+00, v4;
	v4 =	vld [tilespmem:s18+$0x3240]  }
0xa2: {  	v3 =	vmul.f32 $8.000000000e+00, v7;
	v7 =	vld [tilespmem:s18+$0x3250];
	v1 =	vmul.f32 $8.000000000e+00, v9;
	v10 =	vadd.f32 v2, v0  }
0xa3: {  	s13 =	sor.u32 $0x1, s0;
	s20 =	simm.s32 $0x80;
	s7 =	simm.s32 $0x400;
	v9 =	vld [tilespmem:s18+$0x3260];
	v2 =	vmul.f32 $8.000000000e+00, v11;
	v0 =	vmul.f32 $8.000000000e+00, v12;
	v11 =	vadd.f32 v13, v14  }
.LBB2_9:
0xa4: {  	p0 =	sne.s32 s7, $0xC600;
	v12 =	vld [tilespmem:s20+$0x9670];
	[tilespmem:s18+$0xFA00] =	vst v10;
	v5 =	vadd.f32 v8, v5  }
0xa5: {  	v8 =	vld [tilespmem:s20+$0x9600];
	[tilespmem:s18+$0xFA10] =	vst v11;
	v3 =	vadd.f32 v6, v3  }
0xa6: {  	v6 =	vld [tilespmem:s20+$0x3270];
	[tilespmem:s18+$0xFA20] =	vst v5;
	v1 =	vadd.f32 v4, v1  }
0xa7: {  	v4 =	vld [tilespmem:s20+$0x9610];
	[tilespmem:s18+$0xFA30] =	vst v3;
	v2 =	vadd.f32 v7, v2  }
0xa8: {  	v3 =	vld [tilespmem:s20+$0x9620];
	[tilespmem:s18+$0xFA40] =	vst v1;
	v0 =	vadd.f32 v9, v0  }
0xa9: {  	v1 =	vld [tilespmem:s20+$0x9630];
	v5 =	vmul.f32 $8.000000000e+00, v12;
	[tilespmem:s18+$0xFA50] =	vst v2  }
0xaa: {  	v7 =	vmul.f32 $8.000000000e+00, v8;
	v2 =	vld [tilespmem:s20+$0x9640];
	[tilespmem:s18+$0xFA60] =	vst v0;
	s18 =	smov.u32 s20  }
0xab: {  	v0 =	vld [tilespmem:s18+$0x9650];
	v6 =	vadd.f32 v6, v5  }
0xac: {  	v9 =	vmul.f32 $8.000000000e+00, v4;
	v10 =	vld [tilespmem:s18+$0x9660]  }
0xad: {  	v11 =	vld [tilespmem:s18+$0x3200];
	v5 =	vmul.f32 $8.000000000e+00, v3;
	[tilespmem:s18+$0xFA70] =	vst v6  }
0xae: {  	v12 =	vld [tilespmem:s18+$0x3210];
	v3 =	vmul.f32 $8.000000000e+00, v1  }
.Ltmp5:
0xaf: {  	v8 =	vld [tilespmem:s18+$0x3220];
	v1 =	vmul.f32 $8.000000000e+00, v2;
	(pc) =	sbr.rel @p0 .LBB2_9-.Ltmp5, $4  }
0xb0: {  	v6 =	vld [tilespmem:s18+$0x3230];
	v2 =	vmul.f32 $8.000000000e+00, v0  }
0xb1: {  	v4 =	vld [tilespmem:s18+$0x3240];
	v0 =	vmul.f32 $8.000000000e+00, v10  }
0xb2: {  	v10 =	vadd.f32 v11, v7;
	v7 =	vld [tilespmem:s18+$0x3250]  }
0xb3: {  	s20 =	sshra.s32 s7, $0x2;
	s7 =	sadd.s32 $0x200, s7;
	v11 =	vadd.f32 v12, v9;
	v9 =	vld [tilespmem:s18+$0x3260]  }
0xb4: {  	v12 =	vld [tilespmem:s20+$0x9670];
	[tilespmem:s18+$0xFA00] =	vst v10;
	v5 =	vadd.f32 v8, v5  }
0xb5: {  	v10 =	vld [tilespmem:s20+$0x9600];
	[tilespmem:s18+$0xFA10] =	vst v11;
	v3 =	vadd.f32 v6, v3  }
0xb6: {  	v52 =	vld [tilespmem:s20+$0x3270];
	[tilespmem:s18+$0xFA20] =	vst v5;
	v1 =	vadd.f32 v4, v1  }
0xb7: {  	v5 =	vld [tilespmem:s20+$0x9610];
	[tilespmem:s18+$0xFA30] =	vst v3;
	v2 =	vadd.f32 v7, v2  }
0xb8: {  	v3 =	vld [tilespmem:s20+$0x9620];
	[tilespmem:s18+$0xFA40] =	vst v1;
	v0 =	vadd.f32 v9, v0  }
0xb9: {  	v1 =	vld [tilespmem:s20+$0x9630];
	[tilespmem:s18+$0xFA50] =	vst v2  }
0xba: {  	v2 =	vld [tilespmem:s20+$0x9640];
	[tilespmem:s18+$0xFA60] =	vst v0  }
0xbb: {  	v0 =	vld [tilespmem:s20+$0x9650]  }
0xbc: {  	v54 =	vld [tilespmem:s20+$0x9660]  }
0xbd: {  	v55 =	vld [tilespmem:s20+$0x3200]  }
0xbe: {  	v56 =	vld [tilespmem:s20+$0x3210]  }
0xbf: {  	v53 =	vmul.f32 $8.000000000e+00, v12;
	v57 =	vld [tilespmem:s20+$0x3220]  }
0xc0: {  	v58 =	vmul.f32 $8.000000000e+00, v10;
	v59 =	vld [tilespmem:s20+$0x3230]  }
0xc1: {  	v4 =	vadd.f32 v52, v53;
	v11 =	vld [tilespmem:s20+$0x3240];
	v5 =	vmul.f32 $8.000000000e+00, v5  }
0xc2: {  	v60 =	vld [tilespmem:s20+$0x3250];
	v3 =	vmul.f32 $8.000000000e+00, v3;
	v7 =	vadd.f32 v55, v58  }
0xc3: {  	v61 =	vld [tilespmem:s20+$0x3260];
	[tilespmem:s20+$0xFA70] =	vst v4;
	v1 =	vmul.f32 $8.000000000e+00, v1;
	v4 =	vadd.f32 v56, v5  }
0xc4: {  	p0 =	sgt.u32 s31, $0x2E;
	v2 =	vmul.f32 $8.000000000e+00, v2;
	v3 =	vadd.f32 v57, v3;
	[tilespmem:s20+$0xFA00] =	vst v7  }
0xc5: {  	p2 =	sne.s32 @!p0 s12, $0x0;
	v0 =	vmul.f32 $8.000000000e+00, v0;
	v1 =	vadd.f32 v59, v1;
	[tilespmem:s20+$0xFA10] =	vst v4  }
0xc6: {  	p0 =	por p0, p2;
	v62 =	vmul.f32 $8.000000000e+00, v54;
	v2 =	vadd.f32 v11, v2;
	[tilespmem:s20+$0xFA20] =	vst v3  }
.Ltmp6:
0xc7: {  	s7 =	sadd.s32 s4, s13;
	[tilespmem:s20+$0xFA30] =	vst v1;
	v0 =	vadd.f32 v60, v0;
	(pc) =	sbr.rel @!p0 .LBB2_11-.Ltmp6, $4  }
0xc8: {  	s7 =	smul.u32 $0x640, s7;
	v63 =	vadd.f32 v61, v62;
	[tilespmem:s20+$0xFA40] =	vst v2  }
0xc9: {  	[tilespmem:s20+$0xFA50] =	vst v0  }
0xca: {  	s7 =	sadd.s32 s2, s7;
	[tilespmem:s20+$0xFA60] =	vst v63  }
0xcb: {  	[hbm4b:s7+s3] =	stream.linear.scatter [tilespmem:s26], [sflag:$0x4], $0x3200, $0x38;
	[tilespmem:$0x12C00] =	vst v63  }
.Ltmp7:
0xcc: {  	(pc) =	sbr.rel @!p1 .LBB2_13-.Ltmp7, $4  }
.Ltmp8:
0xcd: {  	(pc) =	sbr.rel @p1 .LBB2_14-.Ltmp8, $4  }
0xce: {  	_ = 	snop  }
0xcf: {  	_ = 	snop  }
0xd0: {  	_ = 	snop  }
0xd1: {  	_ = 	snop  }
.LBB2_6:
.Ltmp9:
0xd2: {  	(pc) =	sbr.rel @p1 .LBB2_8-.Ltmp9, $4  }
.Ltmp10:
0xd3: {  	(pc) =	sbr.rel @!p1 .LBB2_7-.Ltmp10, $4  }
0xd4: {  	_ = 	snop  }
0xd5: {  	_ = 	snop  }
0xd6: {  	_ = 	snop  }
0xd7: {  	_ = 	snop  }
.LBB2_15:
0xd8: {  	_ =	sfence.sel $0x180000  }
0xd9: {  	[bflag:$0x0] =	sbarrier.arrive $0xFFFF  }
0xda: {  	_ =	strace $0x90000047  }
0xdb: {  	s0 =	stileid.u32;
	[bflag:$0x2] =	sbarrier.arrive $0xFFFF  }
0xdc: {  	p0 =	sne.s32 s0, $0x0;
	s0 =	rddreg [dreg:$0x2]  }
0xdd: {  	s0 =	sadd.s32 @!p0 $0x100000, s0  }
0xde: {  	[sflag:s0] =	ssyncadd.tile.s32 @!p0 $0x1;
	_ =	shalt  }
.Lfunc_end2:
_tile_overlayer_lowered:
.L_overlay_start_2:
0xdf: {  	(tag) =	ssettag $0x2  }
0xe0: {  	s0 =	rddreg [dreg:$0x0];
	s2 =	stileid.u32  }
0xe1: {  	s1 =	rddreg [dreg:$0x1];
	p0 =	sne.s32 s2, $0x0  }
0xe2: {  	s3 =	rddreg [dreg:$0x2];
	[bflag:$0x3] =	sbarrier.arrive $0xFFFF;
	s2 =	simm.s32 @!p0 $0x1C06  }
0xe3: {  	[timem:s3], [sflag:s2] =	dma.local @!p0 [hbm:s0], s1  }
0xe4: {  	s0 =	simm.s32 @!p0 $0x6  }
0xe5: {  	_ =	swait.ge @!p0 [sflag:s0], s1  }
0xe6: {  	s1 =	ssub.s32 @!p0 $0x0, s1;
	[sflag:s0] =	ssyncset.done @!p0 $0x0  }
0xe7: {  	[sflag:s0] =	ssyncadd.s32 @!p0 s1  }
0xe8: {  	[bflag:$0x3] =	sbarrier.arrive $0xFFFF  }
0xe9: {  	_ =	shalt  }

// kernel: sparse-core-data-format-call.cloned.1.call-start
scs
called_computation_lowered:
.L_overlay_start_0:
0x0: {  	s2 =	sld [smem:$0x3FD9]  }
0x1: {  	s3 =	sld [smem:$0x3FFE];
	_ =	sdelay $0x1  }
0x2: {  	s1 =	srdreg.scid  }
0x3: {  	s0 =	sand.u32 $0x1, s1  }
0x4: {  	s18 =	sshll.u32 s0, $0xA;
	s2 =	sadd.s32 s3, s2  }
0x5: {  	s2 =	sadd.s32 s2, s18  }
0x6: {  	[smem:$0x3FC5] =	sst s2  }
0x7: {  	_ = 	snop  }
0x8: {  	s2 =	sld [smem:$0x3FD0];
	(tm) =	ssettm $0x1  }
0x9: {  	s19 =	sld [smem:$0x3FFB];
	_ =	sdelay $0x3  }
0xa: {  	_ =	strace s19  }
0xb: {  	s3 =	sld [smem:$0x3FFC];
	_ =	sdelay $0x3  }
0xc: {  	_ =	strace s3  }
0xd: {  	s3 =	sld [smem:$0x3FFD];
	_ =	sdelay $0x3  }
0xe: {  	_ =	strace s3  }
0xf: {  	_ =	strace $0x8FFFFFFF  }
0x10: {  	s20 =	sld [smem:$0x3FDB];
	_ =	sdelay $0x1  }
0x11: {  	s4 =	simm.s32 $_scs_section_size  }
0x12: {  	s5 =	simm.s32 $_size__tile_overlayer_lowered;
	s6 =	simm.s32 $_tile_overlayer_lowered  }
0x13: {  	s23 =	simm.s32 $0x1BFF;
	s22 =	sshll.u32 s6, $0x1;
	s3 =	sadd.s32 s4, s20  }
0x14: {  	s7 =	simm.s32 $0x0;
	s21 =	sshll.u32 s5, $0x1;
	s5 =	sadd.s32 s22, s3  }
0x15: {  	[timem:s7], [sflag:s23] =	dma.local [hbm:s5], s21  }
0x16: {  	_ =	swait.ge [sflag:s23], s21  }
0x17: {  	s4 =	ssub.s32 $0x0, s21;
	[sflag:s23] =	ssyncset.done $0x0  }
0x18: {  	[sflag:s23] =	ssyncadd.s32 s4;
	_ =	sdelay $0x1  }
0x19: {  	s24 =	simm.s32 $0x1B8B  }
0x1a: {  	_ =	swait.ge [sflag:s24], $0x1  }
0x1b: {  	[sflag:s24] =	ssyncset.done $0x0  }
0x1c: {  	s26 =	simm.s32 $0x1B8E;
	s25 =	sld [smem:$0x3FFE];
	[sflag:s24] =	ssyncadd.s32 $0xFFFFFFFF  }
0x1d: {  	s27 =	simm.s32 $execute0_lowered;
	[smem:$0x3FD2] =	sst s26  }
0x1e: {  	s5 =	sshll.u32 s27, $0x1;
	_ =	strace $0x80000049;
	[dreg:$0x1] =	wrdreg $0xFFFFFFFF  }
0x1f: {  	s28 =	simm.s32 $_size_execute0_lowered;
	s3 =	sadd.s32 s3, s5;
	[dreg:$0x0] =	wrdreg $0x0  }
0x20: {  	s5 =	sshll.u32 s28, $0x1;
	[dreg:$0x2] =	wrdreg s3  }
0x21: {  	[dreg:$0x3] =	wrdreg s5  }
0x22: {  	[dreg:$0x4] =	wrdreg $0xC0  }
0x23: {  	_ =	task [dreg:s7], $0x5FFFF  }
0x24: {  	[dreg:$0x1] =	wrdreg $0xFFFFFFFF  }
0x25: {  	[dreg:$0x0] =	wrdreg $0x60  }
0x26: {  	[dreg:$0x2] =	wrdreg s25  }
0x27: {  	[dreg:$0x3] =	wrdreg s2  }
0x28: {  	[dreg:$0x4] =	wrdreg $0x9  }
0x29: {  	_ =	task.clear_ibuf [dreg:s7], $0x5FFFF;
	_ =	strace $0x90000049  }
0x2a: {  	s29 =	simm.s32 $0x9;
	_ =	strace $0x8000004B  }
0x2b: {  	_ =	swait.ge [sflag:s29], $0x1  }
0x2c: {  	[sflag:s29] =	ssyncadd.s32 $0xFFFFFFFF  }
0x2d: {  	_ =	strace $0x9000004B  }
0x2e: {  	_ =	sfence  }
0x2f: {  	s30 =	sld [smem:$0x0];
	_ =	sdelay $0x2  }
0x30: {  	s31 =	sshll.u32 s1, $0xD;
	s1 =	sshrl.u32 s1, $0x2  }
0x31: {  	s3 =	sand.u32 $0x4000, s31;
	s1 =	sadd.s32 s1, s30  }
0x32: {  	s0 =	sor.u32 s3, s0;
	s1 =	sshll.u32 s1, $0x11  }
0x33: {  	s0 =	sor.u32 s1, s0  }
0x34: {  	s0 =	sadd.s32 $0x8F2B, s0  }
0x35: {  	[sflag:s0] =	ssyncadd.remote.s32 $0x1  }
0x36: {  	_ =	sfence.sel $0xFFFF  }
0x37: {  	[dreg:$0x0] =	wrdreg $0xFFFFFFFF;
	(pc) =	sbr.abs _section_cstart, $3  }
0x38: {  	[dreg:$0x1] =	wrdreg $0xFFFFFFFF  }
0x39: {  	_ =	task.clear_ibuf [dreg:s7], $0x2FFFF;
	_ =	strace $0x9FFFFFFF  }
0x3a: {  	(tm) =	ssettm $0x7FFFFFFF  }
0x3b: {  	_ =	shalt  }
tec
execute0_lowered:
.L_overlay_start_1:
0x0: {  	(tag) =	ssettag $0x1  }
0x1: {  	s0 =	srdreg.scid  }
0x2: {  	s1 =	sshll.u32 s0, $0x4  }
0x3: {  	s0 =	stileid.u32;
	s1 =	sand.u32 $0x10, s1  }
0x4: {  	s1 =	sor.u32 s0, s1  }
0x5: {  	s6 =	rddreg [dreg:$0x0];
	s4 =	simm.s32 $0x1;
	s2 =	sshll.u32 s1, $0x7  }
0x6: {  	s7 =	simm.s32 $0x2;
	s12 =	simm.s32 $0x0;
	s1 =	ssub.s32 $0x1000, s2  }
0x7: {  	s8 =	simm.s32 $0x8000;
	s13 =	simm.s32 $0x0;
	s3 =	sand.u32 $0xF80, s1  }
0x8: {  	s9 =	simm.s32 $0x0;
	s5 =	sshrl.u32 s1, $0xC;
	p0 =	sne.s32 s3, $0x0  }
.Ltmp0:
0x9: {  	s1 =	rddreg [dreg:$0x2];
	s4 =	simm.s32 @!p0 $0x0;
	(pc) =	sbr.rel .LBB1_1-.Ltmp0, $4  }
0xa: {  	s11 =	simm.s32 $0x0;
	s3 =	rddreg [dreg:$0x1];
	s5 =	sadd.s32 s4, s5  }
0xb: {  	_ =	strace $0x8000004A;
	s4 =	simm.s32 $0x1;
	s5 =	smul.u32 $0xC8, s5  }
0xc: {  	s6 =	sadd.s32 $0xC00, s6;
	s10 =	smov.u32 s2;
	[sflag:s4] =	ssyncpa.u1 $0x0  }
0xd: {  	p0 =	por $0x0, $0x0;
	[sflag:s7] =	ssyncpa.u1 $0x0;
	s7 =	sor.u32 $0x1, s5  }
.LBB1_4:
0xe: {  	s16 =	sshll.u32 s13, $0x3;
	s17 =	sand.u32 $0x78, s13  }
0xf: {  	s30 =	sand.u32 $0x7E00, s13;
	s12 =	sshll.u32 s12, $0xF;
	s16 =	sand.u32 $0xC00, s16  }
0x10: {  	[tilespmem:s15+$0x810 ss:$0x81] =	vst.msk $0xffff, v2;
	s31 =	sand.u32 $0x7, s13;
	s16 =	sor.u32 s17, s16;
	s17 =	sadd.s32 s3, s30  }
0x11: {  	[tilespmem:s15+$0x1020 ss:$0x81] =	vst.msk $0xffff, v0;
	s13 =	sshll.u32 s31, $0x12;
	s12 =	sadd.s32 s12, s17;
	s16 =	sshrl.u32 s16, $0x3  }
0x12: {  	[tilespmem:s15+$0x0 ss:$0x81] =	vst.msk $0xffff, v1;
	s13 =	sor.u32 $0x400, s13;
	s12 =	sadd.s32 s16, s12  }
0x13: {  	[hbm4b:s12+s13] =	stream.strided.scatter [tilespmem:s14], [sflag:$0x2], $0x2000, s8, s13, $0x20;
	[tilespmem:$0x8080] =	vst v63  }
.LBB1_5:
0x14: {  	s14 =	sadd.s32 $0x1, s9  }
0x15: {  	s12 =	sadd.s32 $0x1000, s10;
	s16 =	smov.u32 s10;
	p2 =	sgt.s32 s14, $0xC7  }
0x16: {  	s16 =	smov.u32 @p2 s12  }
0x17: {  	s14 =	simm.s32 @p2 $0x0;
	p2 =	sgt.s32 s16, $0xFFF  }
0x18: {  	s16 =	smov.u32 @p2 s2;
	p2 =	sne.s32 s11, s7  }
.Ltmp1:
0x19: {  	p1 =	slt.u32 s11, $0x2;
	(pc) =	sbr.rel @!p2 .LBB1_6-.Ltmp1, $4  }
0x1a: {  	s15 =	simm.s32 @!p1 $0x2  }
0x1b: {  	s13 =	smov.u32 s10;
	p0 =	por !p0, !p0;
	_ =	swait.ge @!p1 [sflag:s15], $0x2000  }
0x1c: {  	s12 =	smov.u32 s9;
	[sflag:s15] =	ssyncset.done @!p1 $0x0;
	s9 =	smov.u32 s14  }
0x1d: {  	s11 =	sadd.s32 $0x1, s11;
	[sflag:s15] =	ssyncadd.s32 @!p1 $0xFFFFE000;
	s10 =	smov.u32 s16  }
.LBB1_1:
0x1e: {  	p1 =	sge.u32 s11, s5  }
0x1f: {  	s14 =	sand.u32 @!p1 $0x1FFFFFF, s9  }
0x20: {  	s15 =	smulhi.u32 @!p1 $0x147AE15, s14;
	_ =	sdelay $0x1  }
0x21: {  	s15 =	smul.u32 @!p1 $0xC8, s15  }
0x22: {  	s16 =	sxor.u32 @!p1 $0xFFFFFFFF, s11;
	s17 =	smul.u32 @!p1 $0xC80, s10  }
0x23: {  	s31 =	sadd.s32 $0xFFFFFFFF, s11;
	s16 =	sshll.u32 @!p1 s16, $0xD;
	s14 =	ssub.s32 @!p1 s14, s15  }
0x24: {  	s15 =	sand.u32 @!p1 $0x2000, s16;
	s16 =	sadd.s32 @!p1 s6, s17;
	s14 =	sshll.u32 @!p1 s14, $0x4  }
0x25: {  	s17 =	simm.s32 @!p1 $0x6400;
	s14 =	sadd.s32 @!p1 s14, s16;
	s16 =	simm.s32 @!p1 $0x40  }
0x26: {  	[tilespmem:s15], [sflag:$0x1] =	stream.strided.gather @!p1 [hbm4b:s14+s16], $0x2000, s17, s16, $0x38;
	[tilespmem:$0x8080] =	vst v63  }
0x27: {  	p1 =	sge.u32 s31, s5  }
.Ltmp2:
0x28: {  	_ = 	snop;
	(pc) =	sbr.rel @p1 .LBB1_5-.Ltmp2, $1  }
0x29: {  	_ =	sdelay $0x3  }
0x2a: {  	s14 =	simm.s32 $0x1  }
0x2b: {  	_ =	swait.ge [sflag:s4], $0x2000;
	s14 =	simm.s32 @!p0 $0x0  }
0x2c: {  	[sflag:s4] =	ssyncset.done $0x0;
	s15 =	sshll.u32 s14, $0xD  }
0x2d: {  	[sflag:s4] =	ssyncadd.s32 $0xFFFFE000;
	s18 =	sor.u32 $0x20, s15  }
0x2e: {  	s14 =	smul.u32 $0x8100, s14;
	v3 =	vld [tilespmem:s18+$0x10]  }
0x2f: {  	s30 =	sand.u32 $0x1, s11;
	v2 =	vld [tilespmem:s18+$0xFFFFFFF0]  }
0x30: {  	s15 =	smul.u32 $0x8100, s30;
	s14 =	sshrl.u32 s14, $0x2;
	v0 =	vld [tilespmem:s18+$0x0]  }
0x31: {  	v1 =	vld [tilespmem:s18+$0xFFFFFFE0];
	s16 =	sor.u32 $0x4000, s14  }
0x32: {  	s31 =	sshrl.u32 s15, $0x2;
	s15 =	sadd.s32 $0x0, s16  }
0x33: {  	s17 =	simm.s32 $0x4;
	s18 =	sadd.s32 $0x40, s18;
	s14 =	sor.u32 $0x4000, s31;
	[tilespmem:s15+$0x1830 ss:$0x81] =	vst.msk $0xffff, v3  }
.LBB1_3:
0x34: {  	v3 =	vld [tilespmem:s18+$0x10];
	p1 =	sne.s32 s17, $0x1FC;
	[tilespmem:s15+$0x810 ss:$0x81] =	vst.msk $0xffff, v2;
	s19 =	smov.u32 s17;
	s17 =	sadd.s32 $0x4, s17  }
.Ltmp3:
0x35: {  	v2 =	vld [tilespmem:s18+$0xFFFFFFF0];
	[tilespmem:s15+$0x1020 ss:$0x81] =	vst.msk $0xffff, v0;
	(pc) =	sbr.rel @p1 .LBB1_3-.Ltmp3, $4  }
0x36: {  	v0 =	vld [tilespmem:s18+$0x0];
	[tilespmem:s15+$0x0 ss:$0x81] =	vst.msk $0xffff, v1  }
0x37: {  	s15 =	sshra.s32 s19, $0x2;
	v1 =	vld [tilespmem:s18+$0xFFFFFFE0]  }
0x38: {  	s15 =	sadd.s32 s15, s16  }
0x39: {  	s18 =	sadd.s32 $0x40, s18;
	[tilespmem:s15+$0x1830 ss:$0x81] =	vst.msk $0xffff, v3  }
.Ltmp4:
0x3a: {  	_ = 	snop;
	(pc) =	sbr.rel .LBB1_4-.Ltmp4, $1  }
0x3b: {  	_ =	sdelay $0x3  }
.LBB1_6:
0x3c: {  	_ =	sfence.sel $0x180000  }
0x3d: {  	s2 =	simm.s32 $0x1;
	[bflag:$0x0] =	sbarrier.arrive $0xFFFF  }
0x3e: {  	s31 =	simm.s32 $0x2;
	[sflag:s2] =	ssyncpa.u1 $0x1  }
0x3f: {  	[sflag:s31] =	ssyncpa.u1 $0x1  }
0x40: {  	p0 =	sne.s32 s0, $0x0;
	_ =	strace $0x9000004A  }
0x41: {  	s0 =	sadd.s32 @!p0 $0x100000, s1;
	[bflag:$0x2] =	sbarrier.arrive $0xFFFF  }
0x42: {  	[sflag:s0] =	ssyncadd.tile.s32 @!p0 $0x1;
	_ =	shalt  }
.Lfunc_end1:
_tile_overlayer_lowered:
.L_overlay_start_2:
0x43: {  	(tag) =	ssettag $0x2  }
0x44: {  	s0 =	rddreg [dreg:$0x0];
	s2 =	stileid.u32  }
0x45: {  	s1 =	rddreg [dreg:$0x1];
	p0 =	sne.s32 s2, $0x0  }
0x46: {  	s3 =	rddreg [dreg:$0x2];
	[bflag:$0x3] =	sbarrier.arrive $0xFFFF;
	s2 =	simm.s32 @!p0 $0x1C01  }
0x47: {  	[timem:s3], [sflag:s2] =	dma.local @!p0 [hbm:s0], s1  }
0x48: {  	s0 =	simm.s32 @!p0 $0x1  }
0x49: {  	_ =	swait.ge @!p0 [sflag:s0], s1  }
0x4a: {  	s1 =	ssub.s32 @!p0 $0x0, s1;
	[sflag:s0] =	ssyncset.done @!p0 $0x0  }
0x4b: {  	[sflag:s0] =	ssyncadd.s32 @!p0 s1  }
0x4c: {  	[bflag:$0x3] =	sbarrier.arrive $0xFFFF  }
0x4d: {  	_ =	shalt  }

</sc_bundles>
